<compile_context>
chip_gen: v7x
topology: tpu7x:2x2x1
jax: 0.10.2.dev20260603
libtpu: 0.0.44.dev20260713+nightly
codegen_flags: <defaults>
</compile_context>

<pallas_src>
import functools

import jax
import jax.numpy as jnp
from jax import lax
from jax.experimental import pallas as pl
from jax.experimental.pallas import tpu as pltpu
from jax.experimental.pallas import tpu_sc as plsc

F32 = jnp.float32

L = 5
H = 128
EMB = 128
D_IN = 128
D_EDGE = 16
N = 10000
E = 320000
G = 64

NC = 2
NS = 16
NW = NC * NS
CH = 80
TILE_E = E // NW
NCH = TILE_E // CH
NP = 10240
ROWS_PER_TILE = NP // NS



def _sc_body(layer, hn_hbm, emb_hbm, src_hbm, dst_hbm, zeros_hbm, out_hbm,
             src_v, dst_v, sdst, msg, rows, accum,
             si0, si1, se0, se1, sg0, sg1, ss0, ss1):
    c = lax.axis_index("c")
    s = lax.axis_index("s")
    t = c * NS + s
    ebase = pl.multiple_of(t * TILE_E, 8)
    rbase = pl.multiple_of(s * ROWS_PER_TILE, 8)
    si = (si0, si1)
    se = (se0, se1)
    sg = (sg0, sg1)
    ss = (ss0, ss1)

    pltpu.sync_copy(zeros_hbm.at[pl.ds(0, ROWS_PER_TILE)],
                    accum.at[pl.ds(rbase, ROWS_PER_TILE)])
    plsc.subcore_barrier()

    def issue_idx(k, p):
        off = pl.multiple_of(ebase + k * CH, 8)
        pltpu.async_copy(src_hbm.at[pl.ds(off, CH)], src_v[p], si[p])
        pltpu.async_copy(dst_hbm.at[pl.ds(off, CH)], dst_v[p], si[p])

    def drain_idx(p):
        pltpu.make_async_copy(src_hbm.at[pl.ds(0, CH)], src_v[p], si[p]).wait()
        pltpu.make_async_copy(dst_hbm.at[pl.ds(0, CH)], dst_v[p], si[p]).wait()

    def issue_data(k, p):
        erow = pl.multiple_of(layer * E + ebase + k * CH, 8)
        pltpu.async_copy(emb_hbm.at[pl.ds(erow, CH)], msg[p], se[p])
        pltpu.async_copy(hn_hbm.at[src_v[p]], rows[p], sg[p])

    def drain_big(buf_ref, sem):
        pltpu.make_async_copy(zeros_hbm.at[pl.ds(0, CH)], buf_ref, sem).wait()

    def process(k, p):
        q = 1 - p
        drain_big(msg[p], se[p])
        drain_big(rows[p], sg[p])
        if k > 0:
            drain_big(msg[q], ss[q])
        if k + 1 < NCH:
            drain_idx(q)
            issue_data(k + 1, q)
        for j in range(CH // 16):
            sdst[p][pl.ds(j * 16, 16)] = dst_v[p][pl.ds(j * 16, 16)]
        if k + 2 < NCH:
            issue_idx(k + 2, p)

        @pl.loop(0, CH)
        def _(e):
            for j in range(H // 16):
                sl = pl.ds(j * 16, 16)
                msg[p][e, sl] = jnp.maximum(msg[p][e, sl] + rows[p][e, sl],
                                            0.0)

        pltpu.async_copy(msg[p], accum.at[sdst[p]], ss[p], add=True)

    issue_idx(0, 0)
    issue_idx(1, 1)
    drain_idx(0)
    issue_data(0, 0)

    @pl.loop(0, NCH // 2)
    def _(i):
        k = 2 * i

        def proc_traced(k, p):
            q = 1 - p
            drain_big(msg[p], se[p])
            drain_big(rows[p], sg[p])

            @pl.when(k > 0)
            def _():
                drain_big(msg[q], ss[q])

            @pl.when(k + 1 < NCH)
            def _():
                drain_idx(q)
                issue_data(k + 1, q)

            for j in range(CH // 16):
                sdst[p][pl.ds(j * 16, 16)] = dst_v[p][pl.ds(j * 16, 16)]

            @pl.when(k + 2 < NCH)
            def _():
                issue_idx(k + 2, p)

            @pl.loop(0, CH)
            def _(e):
                for j in range(H // 16):
                    sl = pl.ds(j * 16, 16)
                    msg[p][e, sl] = jnp.maximum(
                        msg[p][e, sl] + rows[p][e, sl], 0.0)

            pltpu.async_copy(msg[p], accum.at[sdst[p]], ss[p], add=True)

        proc_traced(k, 0)
        proc_traced(k + 1, 1)

    process(NCH - 1, (NCH - 1) % 2)

    drain_big(msg[(NCH - 1) % 2], ss[(NCH - 1) % 2])
    plsc.subcore_barrier()
    pltpu.sync_copy(accum.at[pl.ds(rbase, ROWS_PER_TILE)],
                    out_hbm.at[pl.ds(c * NP + rbase, ROWS_PER_TILE)])


@functools.partial(jax.jit, static_argnums=0)
def _sc_aggregate(layer, hn, emb, src, dst, zeros):
    mesh = plsc.VectorSubcoreMesh(core_axis_name="c", subcore_axis_name="s")
    kern = pl.kernel(
        functools.partial(_sc_body, layer),
        out_type=jax.ShapeDtypeStruct((NC * NP, H), F32),
        mesh=mesh,
        scratch_types=[
            (pltpu.VMEM((CH,), jnp.int32), pltpu.VMEM((CH,), jnp.int32)),
            (pltpu.VMEM((CH,), jnp.int32), pltpu.VMEM((CH,), jnp.int32)),
            (pltpu.VMEM((CH,), jnp.int32), pltpu.VMEM((CH,), jnp.int32)),
            (pltpu.VMEM((CH, H), F32), pltpu.VMEM((CH, H), F32)),
            (pltpu.VMEM((CH, H), F32), pltpu.VMEM((CH, H), F32)),
            pltpu.VMEM_SHARED((NP, H), F32),
            pltpu.SemaphoreType.DMA,
            pltpu.SemaphoreType.DMA,
            pltpu.SemaphoreType.DMA,
            pltpu.SemaphoreType.DMA,
            pltpu.SemaphoreType.DMA,
            pltpu.SemaphoreType.DMA,
            pltpu.SemaphoreType.DMA,
            pltpu.SemaphoreType.DMA,
        ],
    )
    return kern(hn, emb, src, dst, zeros)



def _bn(z, g, b):
    m = jnp.mean(z, axis=0, keepdims=True)
    v = jnp.mean((z - m) ** 2, axis=0, keepdims=True)
    return g * (z - m) / jnp.sqrt(v + 1e-5) + b


def _proj_body(x_ref, w_ref, b_ref, g_ref, bb_ref, h_ref, hn_ref):
    h = jnp.dot(x_ref[...], w_ref[...], preferred_element_type=F32) + b_ref[...]
    h_ref[...] = h
    hn_ref[...] = _bn(h, g_ref[...], bb_ref[...])


def _edge_emb_body(ea_ref, w_ref, b_ref, o_ref):
    o_ref[...] = (jnp.dot(ea_ref[...], w_ref[0],
                          preferred_element_type=F32) + b_ref[0])[None]


def _update_body(h_ref, hn_ref, p_ref, w1_ref, b1_ref, g1_ref, be1_ref,
                 w2_ref, b2_ref, eps_ref, gn_ref, bn_ref, o_ref, on_ref):
    hn = hn_ref[...]
    z = (1.0 + eps_ref[0, 0]) * hn + p_ref[pl.ds(0, N)] + p_ref[pl.ds(NP, N)]
    z = jnp.dot(z, w1_ref[...], preferred_element_type=F32) + b1_ref[...]
    z = _bn(z, g1_ref[...], be1_ref[...])
    z = 0.5 * z * (1.0 + lax.erf(z * (2.0 ** -0.5)))
    z = jnp.dot(z, w2_ref[...], preferred_element_type=F32) + b2_ref[...]
    h = h_ref[...] + z
    o_ref[...] = h
    on_ref[...] = _bn(h, gn_ref[...], bn_ref[...])


def _pool_body(h_ref, bat_ref, wa_ref, ba_ref, wo1_ref, bo1_ref,
               wo2_ref, bo2_ref, o_ref):
    h = h_ref[...]
    att = jax.nn.sigmoid(
        jnp.sum(h * wa_ref[...], axis=1, keepdims=True) + ba_ref[0, 0])
    ha = h * att
    onehot = (bat_ref[...] ==
              lax.broadcasted_iota(jnp.int32, (G, N), 0)).astype(F32)
    pooled = jnp.dot(onehot, ha, preferred_element_type=F32)
    e = jnp.maximum(
        jnp.dot(pooled, wo1_ref[...], preferred_element_type=F32)
        + bo1_ref[...], 0.0)
    e = jnp.dot(e, wo2_ref[...], preferred_element_type=F32) + bo2_ref[...]
    nrm = jnp.sqrt(jnp.sum(e * e, axis=1, keepdims=True))
    nrm = jnp.clip(nrm, 1e-12, None)
    o_ref[...] = e / nrm



def kernel(x, edge_index, edge_attr, batch, W_in, b_in, eps, W_e, b_e, W1, b1,
           g1, be1, W2, b2, gbn, bbn, W_att, b_att, W_o1, b_o1, W_o2, b_o2):
    src = edge_index[0]
    dst = edge_index[1]
    zeros = jnp.zeros((ROWS_PER_TILE, H), F32)

    h, hn = pl.pallas_call(
        _proj_body,
        out_shape=(jax.ShapeDtypeStruct((N, H), F32),
                   jax.ShapeDtypeStruct((N, H), F32)),
    )(x, W_in, b_in.reshape(1, H), gbn[0].reshape(1, H), bbn[0].reshape(1, H))

    EBLK = 8000
    emb_all = pl.pallas_call(
        _edge_emb_body,
        out_shape=jax.ShapeDtypeStruct((L, E, H), F32),
        grid=(L, E // EBLK),
        in_specs=[
            pl.BlockSpec((EBLK, D_EDGE), lambda l, i: (i, 0)),
            pl.BlockSpec((1, D_EDGE, H), lambda l, i: (l, 0, 0)),
            pl.BlockSpec((1, 1, H), lambda l, i: (l, 0, 0)),
        ],
        out_specs=pl.BlockSpec((1, EBLK, H), lambda l, i: (l, i, 0)),
    )(edge_attr, W_e, b_e.reshape(L, 1, H))

    emb2d = emb_all.reshape(L * E, H)

    for l in range(L):
        part = _sc_aggregate(l, hn, emb2d, src, dst, zeros)
        ln = (l + 1) % L
        h, hn = pl.pallas_call(
            _update_body,
            out_shape=(jax.ShapeDtypeStruct((N, H), F32),
                       jax.ShapeDtypeStruct((N, H), F32)),
        )(h, hn, part, W1[l], b1[l].reshape(1, 2 * H), g1[l].reshape(1, 2 * H),
          be1[l].reshape(1, 2 * H), W2[l], b2[l].reshape(1, H),
          eps[l].reshape(1, 1), gbn[ln].reshape(1, H), bbn[ln].reshape(1, H))

    out = pl.pallas_call(
        _pool_body, out_shape=jax.ShapeDtypeStruct((G, EMB), F32),
    )(h, batch.reshape(1, N), W_att.reshape(1, H), b_att.reshape(1, 1),
      W_o1, b_o1.reshape(1, EMB), W_o2, b_o2.reshape(1, EMB))
    return out

# --- scband reference (transcript-rebuilt; emitter-appended) ---
"""Pipeline reference for scband-polygon-gineencoder-9809705304968 (READ-ONLY COPY).

The authoritative reference and input builder live on the scoring server;
editing this copy changes nothing except your own understanding.
"""

import jax, jax.numpy as jnp
import numpy as np

L = 5
H = 128
EMB = 128
D_IN = 128
D_EDGE = 16
N = 10000
E = 320000
G = 64


def _bn(x, g, b):
    m = jnp.mean(x, axis=0)
    v = jnp.var(x, axis=0)
    return g * (x - m) / jnp.sqrt(v + 1e-5) + b


def setup_inputs(seed: int = 0):
    key = jax.random.key(seed)
    ks = jax.random.split(key, 16)
    inp = {}
    inp['x'] = jax.random.normal(ks[0], (N, D_IN), jnp.float32)
    inp['edge_index'] = jax.random.randint(ks[1], (2, E), 0, N, jnp.int32)
    inp['edge_attr'] = jax.random.normal(ks[2], (E, D_EDGE), jnp.float32)
    inp['batch'] = jnp.sort(jax.random.randint(ks[3], (N,), 0, G, jnp.int32))
    # parameters
    inp['W_in'] = jax.random.normal(ks[4], (D_IN, H), jnp.float32) * (1.0 / np.sqrt(D_IN))
    inp['b_in'] = jnp.zeros((H,), jnp.float32)
    inp['eps'] = jnp.zeros((L,), jnp.float32)
    inp['W_e'] = jax.random.normal(ks[5], (L, D_EDGE, H), jnp.float32) * (1.0 / np.sqrt(D_EDGE))
    inp['b_e'] = jnp.zeros((L, H), jnp.float32)
    inp['W1'] = jax.random.normal(ks[6], (L, H, 2 * H), jnp.float32) * (1.0 / np.sqrt(H))
    inp['b1'] = jnp.zeros((L, 2 * H), jnp.float32)
    inp['g1'] = jnp.ones((L, 2 * H), jnp.float32)
    inp['be1'] = jnp.zeros((L, 2 * H), jnp.float32)
    inp['W2'] = jax.random.normal(ks[7], (L, 2 * H, H), jnp.float32) * (1.0 / np.sqrt(2 * H))
    inp['b2'] = jnp.zeros((L, H), jnp.float32)
    inp['gbn'] = jnp.ones((L, H), jnp.float32)
    inp['bbn'] = jnp.zeros((L, H), jnp.float32)
    inp['W_att'] = jax.random.normal(ks[8], (H, 1), jnp.float32) * (1.0 / np.sqrt(H))
    inp['b_att'] = jnp.zeros((1,), jnp.float32)
    inp['W_o1'] = jax.random.normal(ks[9], (H, EMB), jnp.float32) * (1.0 / np.sqrt(H))
    inp['b_o1'] = jnp.zeros((EMB,), jnp.float32)
    inp['W_o2'] = jax.random.normal(ks[10], (EMB, EMB), jnp.float32) * (1.0 / np.sqrt(EMB))
    inp['b_o2'] = jnp.zeros((EMB,), jnp.float32)
    return inp


def reference(x, edge_index, edge_attr, batch, W_in, b_in, eps, W_e, b_e, W1, b1, g1, be1, W2, b2, gbn, bbn, W_att, b_att, W_o1, b_o1, W_o2, b_o2):
    src = edge_index[0]
    dst = edge_index[1]
    h = x @ W_in + b_in
    for l in range(L):
        h_res = h
        hn = _bn(h, gbn[l], bbn[l])
        e_emb = edge_attr @ W_e[l] + b_e[l]
        msg = jax.nn.relu(hn[src] + e_emb)
        aggr = jax.ops.segment_sum(msg, dst, num_segments=N)
        z = (1.0 + eps[l]) * hn + aggr
        z = z @ W1[l] + b1[l]
        z = _bn(z, g1[l], be1[l])
        z = jax.nn.gelu(z, approximate=False)
        # dropout is identity in eval mode
        z = z @ W2[l] + b2[l]
        h = h_res + z
    att = jax.nn.sigmoid(h @ W_att + b_att)
    pooled = jax.ops.segment_sum(h * att, batch, num_segments=G)
    emb = jax.nn.relu(pooled @ W_o1 + b_o1) @ W_o2 + b_o2
    nrm = jnp.clip(jnp.linalg.norm(emb, axis=-1, keepdims=True), 1e-12, None)
    return emb / nrm

if __name__ == "__main__":
    import jax
    _d = setup_inputs()
    print(jax.jit(kernel)(*tuple(_d.values())))

</pallas_src>

<mosaic_0001>
#map = affine_map<(d0, d1) -> (0, 0)>
#map1 = affine_map<(d0, d1) -> (0)>
module attributes {stable_mosaic.version = 14 : i64} {
  func.func @_sc_body(%arg0: i32, %arg1: i32, %arg2: memref<10000x128xf32, #tpu.memory_space<hbm>>, %arg3: memref<1600000x128xf32, #tpu.memory_space<hbm>>, %arg4: memref<320000xi32, #tpu.memory_space<hbm>>, %arg5: memref<320000xi32, #tpu.memory_space<hbm>>, %arg6: memref<640x128xf32, #tpu.memory_space<hbm>>, %arg7: memref<20480x128xf32, #tpu.memory_space<hbm>>, %arg8: memref<80xi32, #tpu.memory_space<vmem>>, %arg9: memref<80xi32, #tpu.memory_space<vmem>>, %arg10: memref<80xi32, #tpu.memory_space<vmem>>, %arg11: memref<80xi32, #tpu.memory_space<vmem>>, %arg12: memref<80xi32, #tpu.memory_space<vmem>>, %arg13: memref<80xi32, #tpu.memory_space<vmem>>, %arg14: memref<80x128xf32, #tpu.memory_space<vmem>>, %arg15: memref<80x128xf32, #tpu.memory_space<vmem>>, %arg16: memref<80x128xf32, #tpu.memory_space<vmem>>, %arg17: memref<80x128xf32, #tpu.memory_space<vmem>>, %arg18: memref<10240x128xf32, #tpu.memory_space<vmem_shared>>, %arg19: memref<!tpu.dma_semaphore, #tpu.memory_space<semaphore_mem>>, %arg20: memref<!tpu.dma_semaphore, #tpu.memory_space<semaphore_mem>>, %arg21: memref<!tpu.dma_semaphore, #tpu.memory_space<semaphore_mem>>, %arg22: memref<!tpu.dma_semaphore, #tpu.memory_space<semaphore_mem>>, %arg23: memref<!tpu.dma_semaphore, #tpu.memory_space<semaphore_mem>>, %arg24: memref<!tpu.dma_semaphore, #tpu.memory_space<semaphore_mem>>, %arg25: memref<!tpu.dma_semaphore, #tpu.memory_space<semaphore_mem>>, %arg26: memref<!tpu.dma_semaphore, #tpu.memory_space<semaphore_mem>>) attributes {dimension_semantics = [#tpu.dimension_semantics<core_parallel>, #tpu.dimension_semantics<subcore_parallel>], iteration_bounds = array<i64: 2, 16>, scalar_prefetch = 0 : i64, scratch_operands = 19 : i64, tpu.core_type = #tpu.core_type<sc_vector_subcore>, window_params = [{transform_indices = #map}, {transform_indices = #map}, {transform_indices = #map1}, {transform_indices = #map1}, {transform_indices = #map}, {transform_indices = #map}]} {
    %mul3A = arith.constant 16 : i32
    %mul3A_0 = arith.muli %arg0, %mul3A : i32
    %add3A = arith.addi %mul3A_0, %arg1 : i32
    %mul3A_1 = arith.constant 10000 : i32
    %mul3A_2 = arith.muli %add3A, %mul3A_1 : i32
    %multiple_of3A = tpu.assume_multiple %mul3A_2, 8 : i32
    %mul3A_3 = arith.constant 640 : i32
    %mul3A_4 = arith.muli %arg1, %mul3A_3 : i32
    %multiple_of3A_5 = tpu.assume_multiple %mul3A_4, 8 : i32
    "tpu.region"() ({
      %run_scoped3A = tpu.sem_alloc : memref<!tpu.dma_semaphore, #tpu.memory_space<semaphore_mem>>
      %dma_start3A_111 = arith.constant 0 : i32
      %dma_start3A_112 = tpu.memref_slice %arg18[%multiple_of3A_5, %dma_start3A_111] : memref<10240x128xf32, #tpu.memory_space<vmem_shared>> -> memref<640x128xf32, #tpu.memory_space<vmem_shared>>
      %dma_start3A_113 = arith.constant 0 : i32
      %dma_start3A_114 = arith.constant 0 : i32
      %dma_start3A_115 = tpu.memref_slice %arg6[%dma_start3A_113, %dma_start3A_114] : memref<640x128xf32, #tpu.memory_space<hbm>> -> memref<640x128xf32, #tpu.memory_space<hbm>>
      tpu.enqueue_dma source(%dma_start3A_115 : memref<640x128xf32, #tpu.memory_space<hbm>>) target(%dma_start3A_112 : memref<640x128xf32, #tpu.memory_space<vmem_shared>>) target_semaphore(%run_scoped3A : memref<!tpu.dma_semaphore, #tpu.memory_space<semaphore_mem>>)
      %dma_wait3A_116 = arith.constant 0 : i32
      %dma_wait3A_117 = tpu.memref_slice %arg18[%multiple_of3A_5, %dma_wait3A_116] : memref<10240x128xf32, #tpu.memory_space<vmem_shared>> -> memref<640x128xf32, #tpu.memory_space<vmem_shared>>
      %dma_wait3A_118 = arith.constant 0 : i32
      %dma_wait3A_119 = arith.constant 0 : i32
      %dma_wait3A_120 = tpu.memref_slice %arg6[%dma_wait3A_118, %dma_wait3A_119] : memref<640x128xf32, #tpu.memory_space<hbm>> -> memref<640x128xf32, #tpu.memory_space<hbm>>
      tpu.wait_dma2 semaphore(%run_scoped3A : memref<!tpu.dma_semaphore, #tpu.memory_space<semaphore_mem>>) src(%dma_wait3A_120 : memref<640x128xf32, #tpu.memory_space<hbm>>) dst(%dma_wait3A_117 : memref<640x128xf32, #tpu.memory_space<vmem_shared>>)
      tpu.yield
    }) : () -> ()
    %barrier3A = arith.constant 0 : index
    tpu.barrier barrier_id(%barrier3A)
    %add3A_6 = arith.constant 0 : i32
    %add3A_7 = arith.addi %multiple_of3A, %add3A_6 : i32
    %multiple_of3A_8 = tpu.assume_multiple %add3A_7, 8 : i32
    %dma_start3A = tpu.memref_slice %arg4[%multiple_of3A_8] : memref<320000xi32, #tpu.memory_space<hbm>> -> memref<80xi32, #tpu.memory_space<hbm>>
    %dma_start3A_9 = tpu.memref_slice %arg4[%multiple_of3A_8] : memref<320000xi32, #tpu.memory_space<hbm>> -> memref<80xi32, #tpu.memory_space<hbm>>
    tpu.enqueue_dma source(%dma_start3A_9 : memref<80xi32, #tpu.memory_space<hbm>>) target(%arg8 : memref<80xi32, #tpu.memory_space<vmem>>) target_semaphore(%arg19 : memref<!tpu.dma_semaphore, #tpu.memory_space<semaphore_mem>>)
    %dma_start3A_10 = tpu.memref_slice %arg5[%multiple_of3A_8] : memref<320000xi32, #tpu.memory_space<hbm>> -> memref<80xi32, #tpu.memory_space<hbm>>
    %dma_start3A_11 = tpu.memref_slice %arg5[%multiple_of3A_8] : memref<320000xi32, #tpu.memory_space<hbm>> -> memref<80xi32, #tpu.memory_space<hbm>>
    tpu.enqueue_dma source(%dma_start3A_11 : memref<80xi32, #tpu.memory_space<hbm>>) target(%arg10 : memref<80xi32, #tpu.memory_space<vmem>>) target_semaphore(%arg19 : memref<!tpu.dma_semaphore, #tpu.memory_space<semaphore_mem>>)
    %add3A_12 = arith.constant 80 : i32
    %add3A_13 = arith.addi %multiple_of3A, %add3A_12 : i32
    %multiple_of3A_14 = tpu.assume_multiple %add3A_13, 8 : i32
    %dma_start3A_15 = tpu.memref_slice %arg4[%multiple_of3A_14] : memref<320000xi32, #tpu.memory_space<hbm>> -> memref<80xi32, #tpu.memory_space<hbm>>
    %dma_start3A_16 = tpu.memref_slice %arg4[%multiple_of3A_14] : memref<320000xi32, #tpu.memory_space<hbm>> -> memref<80xi32, #tpu.memory_space<hbm>>
    tpu.enqueue_dma source(%dma_start3A_16 : memref<80xi32, #tpu.memory_space<hbm>>) target(%arg9 : memref<80xi32, #tpu.memory_space<vmem>>) target_semaphore(%arg20 : memref<!tpu.dma_semaphore, #tpu.memory_space<semaphore_mem>>)
    %dma_start3A_17 = tpu.memref_slice %arg5[%multiple_of3A_14] : memref<320000xi32, #tpu.memory_space<hbm>> -> memref<80xi32, #tpu.memory_space<hbm>>
    %dma_start3A_18 = tpu.memref_slice %arg5[%multiple_of3A_14] : memref<320000xi32, #tpu.memory_space<hbm>> -> memref<80xi32, #tpu.memory_space<hbm>>
    tpu.enqueue_dma source(%dma_start3A_18 : memref<80xi32, #tpu.memory_space<hbm>>) target(%arg11 : memref<80xi32, #tpu.memory_space<vmem>>) target_semaphore(%arg20 : memref<!tpu.dma_semaphore, #tpu.memory_space<semaphore_mem>>)
    %dma_wait3A = arith.constant 0 : i32
    %dma_wait3A_19 = tpu.memref_slice %arg4[%dma_wait3A] : memref<320000xi32, #tpu.memory_space<hbm>> -> memref<80xi32, #tpu.memory_space<hbm>>
    %dma_wait3A_20 = arith.constant 0 : i32
    %dma_wait3A_21 = tpu.memref_slice %arg4[%dma_wait3A_20] : memref<320000xi32, #tpu.memory_space<hbm>> -> memref<80xi32, #tpu.memory_space<hbm>>
    tpu.wait_dma2 semaphore(%arg19 : memref<!tpu.dma_semaphore, #tpu.memory_space<semaphore_mem>>) src(%dma_wait3A_21 : memref<80xi32, #tpu.memory_space<hbm>>) dst(%arg8 : memref<80xi32, #tpu.memory_space<vmem>>)
    %dma_wait3A_22 = arith.constant 0 : i32
    %dma_wait3A_23 = tpu.memref_slice %arg5[%dma_wait3A_22] : memref<320000xi32, #tpu.memory_space<hbm>> -> memref<80xi32, #tpu.memory_space<hbm>>
    %dma_wait3A_24 = arith.constant 0 : i32
    %dma_wait3A_25 = tpu.memref_slice %arg5[%dma_wait3A_24] : memref<320000xi32, #tpu.memory_space<hbm>> -> memref<80xi32, #tpu.memory_space<hbm>>
    tpu.wait_dma2 semaphore(%arg19 : memref<!tpu.dma_semaphore, #tpu.memory_space<semaphore_mem>>) src(%dma_wait3A_25 : memref<80xi32, #tpu.memory_space<hbm>>) dst(%arg10 : memref<80xi32, #tpu.memory_space<vmem>>)
    %add3A_26 = arith.constant 0 : i32
    %add3A_27 = arith.addi %add3A_26, %multiple_of3A : i32
    %add3A_28 = arith.constant 0 : i32
    %add3A_29 = arith.addi %add3A_27, %add3A_28 : i32
    %multiple_of3A_30 = tpu.assume_multiple %add3A_29, 8 : i32
    %dma_start3A_31 = arith.constant 0 : i32
    %dma_start3A_32 = tpu.memref_slice %arg3[%multiple_of3A_30, %dma_start3A_31] : memref<1600000x128xf32, #tpu.memory_space<hbm>> -> memref<80x128xf32, #tpu.memory_space<hbm>>
    %dma_start3A_33 = arith.constant 0 : i32
    %dma_start3A_34 = tpu.memref_slice %arg3[%multiple_of3A_30, %dma_start3A_33] : memref<1600000x128xf32, #tpu.memory_space<hbm>> -> memref<80x128xf32, #tpu.memory_space<hbm>>
    tpu.enqueue_dma source(%dma_start3A_34 : memref<80x128xf32, #tpu.memory_space<hbm>>) target(%arg14 : memref<80x128xf32, #tpu.memory_space<vmem>>) target_semaphore(%arg21 : memref<!tpu.dma_semaphore, #tpu.memory_space<semaphore_mem>>)
    %dma_start3A_35 = arith.constant 0 : i32
    %dma_start3A_36 = arith.constant 0 : i32
    %dma_start3A_37 = tpu.memref_slice %arg2[%dma_start3A_35, %dma_start3A_36] : memref<10000x128xf32, #tpu.memory_space<hbm>> -> memref<10000x128xf32, #tpu.memory_space<hbm>>
    tpu.enqueue_indirect_dma source(%dma_start3A_37 : memref<10000x128xf32, #tpu.memory_space<hbm>>) target(%arg16 : memref<80x128xf32, #tpu.memory_space<vmem>>) offsets(%arg8 : memref<80xi32, #tpu.memory_space<vmem>>) semaphore(%arg23 : memref<!tpu.dma_semaphore, #tpu.memory_space<semaphore_mem>>)
    %scan3A = arith.constant 0 : i32
    %scan3A_38 = arith.constant 62 : i32
    %scan3A_39 = arith.addi %scan3A, %scan3A_38 : i32
    %scan3A_40 = arith.constant 1 : i32
    scf.for %scan3A_111 = %scan3A to %scan3A_39 step %scan3A_40  : i32 {
      %mul3A_112 = arith.constant 1 : i32
      %mul3A_113 = arith.muli %scan3A_111, %mul3A_112 : i32
      %add3A_114 = arith.constant 0 : i32
      %add3A_115 = arith.addi %add3A_114, %mul3A_113 : i32
      %mul3A_116 = arith.constant 2 : i32
      %mul3A_117 = arith.muli %mul3A_116, %add3A_115 : i32
      %dma_wait3A_118 = arith.constant 0 : i32
      %dma_wait3A_119 = arith.constant 0 : i32
      %dma_wait3A_120 = tpu.memref_slice %arg6[%dma_wait3A_118, %dma_wait3A_119] : memref<640x128xf32, #tpu.memory_space<hbm>> -> memref<80x128xf32, #tpu.memory_space<hbm>>
      %dma_wait3A_121 = arith.constant 0 : i32
      %dma_wait3A_122 = arith.constant 0 : i32
      %dma_wait3A_123 = tpu.memref_slice %arg6[%dma_wait3A_121, %dma_wait3A_122] : memref<640x128xf32, #tpu.memory_space<hbm>> -> memref<80x128xf32, #tpu.memory_space<hbm>>
      tpu.wait_dma2 semaphore(%arg21 : memref<!tpu.dma_semaphore, #tpu.memory_space<semaphore_mem>>) src(%dma_wait3A_123 : memref<80x128xf32, #tpu.memory_space<hbm>>) dst(%arg14 : memref<80x128xf32, #tpu.memory_space<vmem>>)
      %dma_wait3A_124 = arith.constant 0 : i32
      %dma_wait3A_125 = arith.constant 0 : i32
      %dma_wait3A_126 = tpu.memref_slice %arg6[%dma_wait3A_124, %dma_wait3A_125] : memref<640x128xf32, #tpu.memory_space<hbm>> -> memref<80x128xf32, #tpu.memory_space<hbm>>
      %dma_wait3A_127 = arith.constant 0 : i32
      %dma_wait3A_128 = arith.constant 0 : i32
      %dma_wait3A_129 = tpu.memref_slice %arg6[%dma_wait3A_127, %dma_wait3A_128] : memref<640x128xf32, #tpu.memory_space<hbm>> -> memref<80x128xf32, #tpu.memory_space<hbm>>
      tpu.wait_dma2 semaphore(%arg23 : memref<!tpu.dma_semaphore, #tpu.memory_space<semaphore_mem>>) src(%dma_wait3A_129 : memref<80x128xf32, #tpu.memory_space<hbm>>) dst(%arg16 : memref<80x128xf32, #tpu.memory_space<vmem>>)
      %gt3A = arith.constant 0 : i32
      %gt3A_130 = arith.cmpi sgt, %mul3A_117, %gt3A : i32
      %convert_element_type3A = arith.extui %gt3A_130 : i1 to i32
      %cond3A = arith.constant 0 : i32
      %cond3A_131 = arith.cmpi ne, %convert_element_type3A, %cond3A : i32
      scf.if %cond3A_131 {
        %dma_wait3A_264 = arith.constant 0 : i32
        %dma_wait3A_265 = arith.constant 0 : i32
        %dma_wait3A_266 = tpu.memref_slice %arg6[%dma_wait3A_264, %dma_wait3A_265] : memref<640x128xf32, #tpu.memory_space<hbm>> -> memref<80x128xf32, #tpu.memory_space<hbm>>
        %dma_wait3A_267 = arith.constant 0 : i32
        %dma_wait3A_268 = arith.constant 0 : i32
        %dma_wait3A_269 = tpu.memref_slice %arg6[%dma_wait3A_267, %dma_wait3A_268] : memref<640x128xf32, #tpu.memory_space<hbm>> -> memref<80x128xf32, #tpu.memory_space<hbm>>
        tpu.wait_dma2 semaphore(%arg26 : memref<!tpu.dma_semaphore, #tpu.memory_space<semaphore_mem>>) src(%dma_wait3A_269 : memref<80x128xf32, #tpu.memory_space<hbm>>) dst(%arg15 : memref<80x128xf32, #tpu.memory_space<vmem>>)
      } else {
      }
      %add3A_132 = arith.constant 1 : i32
      %add3A_133 = arith.addi %mul3A_117, %add3A_132 : i32
      %lt3A = arith.constant 125 : i32
      %lt3A_134 = arith.cmpi slt, %add3A_133, %lt3A : i32
      %convert_element_type3A_135 = arith.extui %lt3A_134 : i1 to i32
      %cond3A_136 = arith.constant 0 : i32
      %cond3A_137 = arith.cmpi ne, %convert_element_type3A_135, %cond3A_136 : i32
      scf.if %cond3A_137 {
        %dma_wait3A_264 = arith.constant 0 : i32
        %dma_wait3A_265 = tpu.memref_slice %arg4[%dma_wait3A_264] : memref<320000xi32, #tpu.memory_space<hbm>> -> memref<80xi32, #tpu.memory_space<hbm>>
        %dma_wait3A_266 = arith.constant 0 : i32
        %dma_wait3A_267 = tpu.memref_slice %arg4[%dma_wait3A_266] : memref<320000xi32, #tpu.memory_space<hbm>> -> memref<80xi32, #tpu.memory_space<hbm>>
        tpu.wait_dma2 semaphore(%arg20 : memref<!tpu.dma_semaphore, #tpu.memory_space<semaphore_mem>>) src(%dma_wait3A_267 : memref<80xi32, #tpu.memory_space<hbm>>) dst(%arg9 : memref<80xi32, #tpu.memory_space<vmem>>)
        %dma_wait3A_268 = arith.constant 0 : i32
        %dma_wait3A_269 = tpu.memref_slice %arg5[%dma_wait3A_268] : memref<320000xi32, #tpu.memory_space<hbm>> -> memref<80xi32, #tpu.memory_space<hbm>>
        %dma_wait3A_270 = arith.constant 0 : i32
        %dma_wait3A_271 = tpu.memref_slice %arg5[%dma_wait3A_270] : memref<320000xi32, #tpu.memory_space<hbm>> -> memref<80xi32, #tpu.memory_space<hbm>>
        tpu.wait_dma2 semaphore(%arg20 : memref<!tpu.dma_semaphore, #tpu.memory_space<semaphore_mem>>) src(%dma_wait3A_271 : memref<80xi32, #tpu.memory_space<hbm>>) dst(%arg11 : memref<80xi32, #tpu.memory_space<vmem>>)
        %add3A_272 = arith.constant 1 : i32
        %add3A_273 = arith.addi %mul3A_117, %add3A_272 : i32
        %add3A_274 = arith.constant 0 : i32
        %add3A_275 = arith.addi %add3A_274, %multiple_of3A : i32
        %mul3A_276 = arith.constant 80 : i32
        %mul3A_277 = arith.muli %add3A_273, %mul3A_276 : i32
        %add3A_278 = arith.addi %add3A_275, %mul3A_277 : i32
        %multiple_of3A_279 = tpu.assume_multiple %add3A_278, 8 : i32
        %dma_start3A_280 = arith.constant 0 : i32
        %dma_start3A_281 = tpu.memref_slice %arg3[%multiple_of3A_279, %dma_start3A_280] : memref<1600000x128xf32, #tpu.memory_space<hbm>> -> memref<80x128xf32, #tpu.memory_space<hbm>>
        %dma_start3A_282 = arith.constant 0 : i32
        %dma_start3A_283 = tpu.memref_slice %arg3[%multiple_of3A_279, %dma_start3A_282] : memref<1600000x128xf32, #tpu.memory_space<hbm>> -> memref<80x128xf32, #tpu.memory_space<hbm>>
        tpu.enqueue_dma source(%dma_start3A_283 : memref<80x128xf32, #tpu.memory_space<hbm>>) target(%arg15 : memref<80x128xf32, #tpu.memory_space<vmem>>) target_semaphore(%arg22 : memref<!tpu.dma_semaphore, #tpu.memory_space<semaphore_mem>>)
        %dma_start3A_284 = arith.constant 0 : i32
        %dma_start3A_285 = arith.constant 0 : i32
        %dma_start3A_286 = tpu.memref_slice %arg2[%dma_start3A_284, %dma_start3A_285] : memref<10000x128xf32, #tpu.memory_space<hbm>> -> memref<10000x128xf32, #tpu.memory_space<hbm>>
        tpu.enqueue_indirect_dma source(%dma_start3A_286 : memref<10000x128xf32, #tpu.memory_space<hbm>>) target(%arg17 : memref<80x128xf32, #tpu.memory_space<vmem>>) offsets(%arg9 : memref<80xi32, #tpu.memory_space<vmem>>) semaphore(%arg24 : memref<!tpu.dma_semaphore, #tpu.memory_space<semaphore_mem>>)
      } else {
      }
      %get3A_138 = arith.constant 0 : index
      %get3A_139 = tpu.vector_load %arg10[%get3A_138] {strides = array<i32>} : memref<80xi32, #tpu.memory_space<vmem>>, vector<16xi32>,
      %get3A_140 = vector.shape_cast %get3A_139 : vector<16xi32> to vector<16xi32>
      %swap3A_141 = arith.constant 0 : index
      %swap3A_142 = tpu.vector_load %arg12[%swap3A_141] {strides = array<i32>} : memref<80xi32, #tpu.memory_space<vmem>>, vector<16xi32>,
      %swap3A_143 = vector.shape_cast %swap3A_142 : vector<16xi32> to vector<16xi32>
      %swap3A_144 = vector.shape_cast %get3A_140 : vector<16xi32> to vector<16xi32>
      tpu.vector_store %arg12[%swap3A_141], %swap3A_144 {strides = array<i32>} : memref<80xi32, #tpu.memory_space<vmem>>, vector<16xi32>,
      %get3A_145 = arith.constant 16 : index
      %get3A_146 = tpu.vector_load %arg10[%get3A_145] {strides = array<i32>} : memref<80xi32, #tpu.memory_space<vmem>>, vector<16xi32>,
      %get3A_147 = vector.shape_cast %get3A_146 : vector<16xi32> to vector<16xi32>
      %swap3A_148 = arith.constant 16 : index
      %swap3A_149 = tpu.vector_load %arg12[%swap3A_148] {strides = array<i32>} : memref<80xi32, #tpu.memory_space<vmem>>, vector<16xi32>,
      %swap3A_150 = vector.shape_cast %swap3A_149 : vector<16xi32> to vector<16xi32>
      %swap3A_151 = vector.shape_cast %get3A_147 : vector<16xi32> to vector<16xi32>
      tpu.vector_store %arg12[%swap3A_148], %swap3A_151 {strides = array<i32>} : memref<80xi32, #tpu.memory_space<vmem>>, vector<16xi32>,
      %get3A_152 = arith.constant 32 : index
      %get3A_153 = tpu.vector_load %arg10[%get3A_152] {strides = array<i32>} : memref<80xi32, #tpu.memory_space<vmem>>, vector<16xi32>,
      %get3A_154 = vector.shape_cast %get3A_153 : vector<16xi32> to vector<16xi32>
      %swap3A_155 = arith.constant 32 : index
      %swap3A_156 = tpu.vector_load %arg12[%swap3A_155] {strides = array<i32>} : memref<80xi32, #tpu.memory_space<vmem>>, vector<16xi32>,
      %swap3A_157 = vector.shape_cast %swap3A_156 : vector<16xi32> to vector<16xi32>
      %swap3A_158 = vector.shape_cast %get3A_154 : vector<16xi32> to vector<16xi32>
      tpu.vector_store %arg12[%swap3A_155], %swap3A_158 {strides = array<i32>} : memref<80xi32, #tpu.memory_space<vmem>>, vector<16xi32>,
      %get3A_159 = arith.constant 48 : index
      %get3A_160 = tpu.vector_load %arg10[%get3A_159] {strides = array<i32>} : memref<80xi32, #tpu.memory_space<vmem>>, vector<16xi32>,
      %get3A_161 = vector.shape_cast %get3A_160 : vector<16xi32> to vector<16xi32>
      %swap3A_162 = arith.constant 48 : index
      %swap3A_163 = tpu.vector_load %arg12[%swap3A_162] {strides = array<i32>} : memref<80xi32, #tpu.memory_space<vmem>>, vector<16xi32>,
      %swap3A_164 = vector.shape_cast %swap3A_163 : vector<16xi32> to vector<16xi32>
      %swap3A_165 = vector.shape_cast %get3A_161 : vector<16xi32> to vector<16xi32>
      tpu.vector_store %arg12[%swap3A_162], %swap3A_165 {strides = array<i32>} : memref<80xi32, #tpu.memory_space<vmem>>, vector<16xi32>,
      %get3A_166 = arith.constant 64 : index
      %get3A_167 = tpu.vector_load %arg10[%get3A_166] {strides = array<i32>} : memref<80xi32, #tpu.memory_space<vmem>>, vector<16xi32>,
      %get3A_168 = vector.shape_cast %get3A_167 : vector<16xi32> to vector<16xi32>
      %swap3A_169 = arith.constant 64 : index
      %swap3A_170 = tpu.vector_load %arg12[%swap3A_169] {strides = array<i32>} : memref<80xi32, #tpu.memory_space<vmem>>, vector<16xi32>,
      %swap3A_171 = vector.shape_cast %swap3A_170 : vector<16xi32> to vector<16xi32>
      %swap3A_172 = vector.shape_cast %get3A_168 : vector<16xi32> to vector<16xi32>
      tpu.vector_store %arg12[%swap3A_169], %swap3A_172 {strides = array<i32>} : memref<80xi32, #tpu.memory_space<vmem>>, vector<16xi32>,
      %add3A_173 = arith.constant 2 : i32
      %add3A_174 = arith.addi %mul3A_117, %add3A_173 : i32
      %lt3A_175 = arith.constant 125 : i32
      %lt3A_176 = arith.cmpi slt, %add3A_174, %lt3A_175 : i32
      %convert_element_type3A_177 = arith.extui %lt3A_176 : i1 to i32
      %cond3A_178 = arith.constant 0 : i32
      %cond3A_179 = arith.cmpi ne, %convert_element_type3A_177, %cond3A_178 : i32
      scf.if %cond3A_179 {
        %add3A_264 = arith.constant 2 : i32
        %add3A_265 = arith.addi %mul3A_117, %add3A_264 : i32
        %mul3A_266 = arith.constant 80 : i32
        %mul3A_267 = arith.muli %add3A_265, %mul3A_266 : i32
        %add3A_268 = arith.addi %multiple_of3A, %mul3A_267 : i32
        %multiple_of3A_269 = tpu.assume_multiple %add3A_268, 8 : i32
        %dma_start3A_270 = tpu.memref_slice %arg4[%multiple_of3A_269] : memref<320000xi32, #tpu.memory_space<hbm>> -> memref<80xi32, #tpu.memory_space<hbm>>
        %dma_start3A_271 = tpu.memref_slice %arg4[%multiple_of3A_269] : memref<320000xi32, #tpu.memory_space<hbm>> -> memref<80xi32, #tpu.memory_space<hbm>>
        tpu.enqueue_dma source(%dma_start3A_271 : memref<80xi32, #tpu.memory_space<hbm>>) target(%arg8 : memref<80xi32, #tpu.memory_space<vmem>>) target_semaphore(%arg19 : memref<!tpu.dma_semaphore, #tpu.memory_space<semaphore_mem>>)
        %dma_start3A_272 = tpu.memref_slice %arg5[%multiple_of3A_269] : memref<320000xi32, #tpu.memory_space<hbm>> -> memref<80xi32, #tpu.memory_space<hbm>>
        %dma_start3A_273 = tpu.memref_slice %arg5[%multiple_of3A_269] : memref<320000xi32, #tpu.memory_space<hbm>> -> memref<80xi32, #tpu.memory_space<hbm>>
        tpu.enqueue_dma source(%dma_start3A_273 : memref<80xi32, #tpu.memory_space<hbm>>) target(%arg10 : memref<80xi32, #tpu.memory_space<vmem>>) target_semaphore(%arg19 : memref<!tpu.dma_semaphore, #tpu.memory_space<semaphore_mem>>)
      } else {
      }
      %scan3A_180 = arith.constant 0 : i32
      %scan3A_181 = arith.constant 80 : i32
      %scan3A_182 = arith.addi %scan3A_180, %scan3A_181 : i32
      %scan3A_183 = arith.constant 1 : i32
      scf.for %scan3A_264 = %scan3A_180 to %scan3A_182 step %scan3A_183  : i32 {
        %mul3A_265 = arith.constant 1 : i32
        %mul3A_266 = arith.muli %scan3A_264, %mul3A_265 : i32
        %add3A_267 = arith.constant 0 : i32
        %add3A_268 = arith.addi %add3A_267, %mul3A_266 : i32
        %get3A_269 = arith.index_cast %add3A_268 : i32 to index
        %get3A_270 = arith.constant 0 : index
        %get3A_271 = tpu.vector_load %arg14[%get3A_269, %get3A_270] {strides = array<i32>} : memref<80x128xf32, #tpu.memory_space<vmem>>, vector<1x16xf32>,
        %get3A_272 = vector.shape_cast %get3A_271 : vector<1x16xf32> to vector<16xf32>
        %get3A_273 = arith.index_cast %add3A_268 : i32 to index
        %get3A_274 = arith.constant 0 : index
        %get3A_275 = tpu.vector_load %arg16[%get3A_273, %get3A_274] {strides = array<i32>} : memref<80x128xf32, #tpu.memory_space<vmem>>, vector<1x16xf32>,
        %get3A_276 = vector.shape_cast %get3A_275 : vector<1x16xf32> to vector<16xf32>
        %add3A_277 = arith.addf %get3A_272, %get3A_276 : vector<16xf32>
        %max3A = arith.constant 0.000000e+00 : f32
        %max3A_278 = vector.broadcast %max3A : f32 to vector<16xf32>
        %max3A_279 = arith.maximumf %add3A_277, %max3A_278 : vector<16xf32>
        %swap3A_280 = arith.index_cast %add3A_268 : i32 to index
        %swap3A_281 = arith.constant 0 : index
        %swap3A_282 = tpu.vector_load %arg14[%swap3A_280, %swap3A_281] {strides = array<i32>} : memref<80x128xf32, #tpu.memory_space<vmem>>, vector<1x16xf32>,
        %swap3A_283 = vector.shape_cast %swap3A_282 : vector<1x16xf32> to vector<16xf32>
        %swap3A_284 = vector.shape_cast %max3A_279 : vector<16xf32> to vector<1x16xf32>
        tpu.vector_store %arg14[%swap3A_280, %swap3A_281], %swap3A_284 {strides = array<i32>} : memref<80x128xf32, #tpu.memory_space<vmem>>, vector<1x16xf32>,
        %get3A_285 = arith.index_cast %add3A_268 : i32 to index
        %get3A_286 = arith.constant 16 : index
        %get3A_287 = tpu.vector_load %arg14[%get3A_285, %get3A_286] {strides = array<i32>} : memref<80x128xf32, #tpu.memory_space<vmem>>, vector<1x16xf32>,
        %get3A_288 = vector.shape_cast %get3A_287 : vector<1x16xf32> to vector<16xf32>
        %get3A_289 = arith.index_cast %add3A_268 : i32 to index
        %get3A_290 = arith.constant 16 : index
        %get3A_291 = tpu.vector_load %arg16[%get3A_289, %get3A_290] {strides = array<i32>} : memref<80x128xf32, #tpu.memory_space<vmem>>, vector<1x16xf32>,
        %get3A_292 = vector.shape_cast %get3A_291 : vector<1x16xf32> to vector<16xf32>
        %add3A_293 = arith.addf %get3A_288, %get3A_292 : vector<16xf32>
        %max3A_294 = arith.constant 0.000000e+00 : f32
        %max3A_295 = vector.broadcast %max3A_294 : f32 to vector<16xf32>
        %max3A_296 = arith.maximumf %add3A_293, %max3A_295 : vector<16xf32>
        %swap3A_297 = arith.index_cast %add3A_268 : i32 to index
        %swap3A_298 = arith.constant 16 : index
        %swap3A_299 = tpu.vector_load %arg14[%swap3A_297, %swap3A_298] {strides = array<i32>} : memref<80x128xf32, #tpu.memory_space<vmem>>, vector<1x16xf32>,
        %swap3A_300 = vector.shape_cast %swap3A_299 : vector<1x16xf32> to vector<16xf32>
        %swap3A_301 = vector.shape_cast %max3A_296 : vector<16xf32> to vector<1x16xf32>
        tpu.vector_store %arg14[%swap3A_297, %swap3A_298], %swap3A_301 {strides = array<i32>} : memref<80x128xf32, #tpu.memory_space<vmem>>, vector<1x16xf32>,
        %get3A_302 = arith.index_cast %add3A_268 : i32 to index
        %get3A_303 = arith.constant 32 : index
        %get3A_304 = tpu.vector_load %arg14[%get3A_302, %get3A_303] {strides = array<i32>} : memref<80x128xf32, #tpu.memory_space<vmem>>, vector<1x16xf32>,
        %get3A_305 = vector.shape_cast %get3A_304 : vector<1x16xf32> to vector<16xf32>
        %get3A_306 = arith.index_cast %add3A_268 : i32 to index
        %get3A_307 = arith.constant 32 : index
        %get3A_308 = tpu.vector_load %arg16[%get3A_306, %get3A_307] {strides = array<i32>} : memref<80x128xf32, #tpu.memory_space<vmem>>, vector<1x16xf32>,
        %get3A_309 = vector.shape_cast %get3A_308 : vector<1x16xf32> to vector<16xf32>
        %add3A_310 = arith.addf %get3A_305, %get3A_309 : vector<16xf32>
        %max3A_311 = arith.constant 0.000000e+00 : f32
        %max3A_312 = vector.broadcast %max3A_311 : f32 to vector<16xf32>
        %max3A_313 = arith.maximumf %add3A_310, %max3A_312 : vector<16xf32>
        %swap3A_314 = arith.index_cast %add3A_268 : i32 to index
        %swap3A_315 = arith.constant 32 : index
        %swap3A_316 = tpu.vector_load %arg14[%swap3A_314, %swap3A_315] {strides = array<i32>} : memref<80x128xf32, #tpu.memory_space<vmem>>, vector<1x16xf32>,
        %swap3A_317 = vector.shape_cast %swap3A_316 : vector<1x16xf32> to vector<16xf32>
        %swap3A_318 = vector.shape_cast %max3A_313 : vector<16xf32> to vector<1x16xf32>
        tpu.vector_store %arg14[%swap3A_314, %swap3A_315], %swap3A_318 {strides = array<i32>} : memref<80x128xf32, #tpu.memory_space<vmem>>, vector<1x16xf32>,
        %get3A_319 = arith.index_cast %add3A_268 : i32 to index
        %get3A_320 = arith.constant 48 : index
        %get3A_321 = tpu.vector_load %arg14[%get3A_319, %get3A_320] {strides = array<i32>} : memref<80x128xf32, #tpu.memory_space<vmem>>, vector<1x16xf32>,
        %get3A_322 = vector.shape_cast %get3A_321 : vector<1x16xf32> to vector<16xf32>
        %get3A_323 = arith.index_cast %add3A_268 : i32 to index
        %get3A_324 = arith.constant 48 : index
        %get3A_325 = tpu.vector_load %arg16[%get3A_323, %get3A_324] {strides = array<i32>} : memref<80x128xf32, #tpu.memory_space<vmem>>, vector<1x16xf32>,
        %get3A_326 = vector.shape_cast %get3A_325 : vector<1x16xf32> to vector<16xf32>
        %add3A_327 = arith.addf %get3A_322, %get3A_326 : vector<16xf32>
        %max3A_328 = arith.constant 0.000000e+00 : f32
        %max3A_329 = vector.broadcast %max3A_328 : f32 to vector<16xf32>
        %max3A_330 = arith.maximumf %add3A_327, %max3A_329 : vector<16xf32>
        %swap3A_331 = arith.index_cast %add3A_268 : i32 to index
        %swap3A_332 = arith.constant 48 : index
        %swap3A_333 = tpu.vector_load %arg14[%swap3A_331, %swap3A_332] {strides = array<i32>} : memref<80x128xf32, #tpu.memory_space<vmem>>, vector<1x16xf32>,
        %swap3A_334 = vector.shape_cast %swap3A_333 : vector<1x16xf32> to vector<16xf32>
        %swap3A_335 = vector.shape_cast %max3A_330 : vector<16xf32> to vector<1x16xf32>
        tpu.vector_store %arg14[%swap3A_331, %swap3A_332], %swap3A_335 {strides = array<i32>} : memref<80x128xf32, #tpu.memory_space<vmem>>, vector<1x16xf32>,
        %get3A_336 = arith.index_cast %add3A_268 : i32 to index
        %get3A_337 = arith.constant 64 : index
        %get3A_338 = tpu.vector_load %arg14[%get3A_336, %get3A_337] {strides = array<i32>} : memref<80x128xf32, #tpu.memory_space<vmem>>, vector<1x16xf32>,
        %get3A_339 = vector.shape_cast %get3A_338 : vector<1x16xf32> to vector<16xf32>
        %get3A_340 = arith.index_cast %add3A_268 : i32 to index
        %get3A_341 = arith.constant 64 : index
        %get3A_342 = tpu.vector_load %arg16[%get3A_340, %get3A_341] {strides = array<i32>} : memref<80x128xf32, #tpu.memory_space<vmem>>, vector<1x16xf32>,
        %get3A_343 = vector.shape_cast %get3A_342 : vector<1x16xf32> to vector<16xf32>
        %add3A_344 = arith.addf %get3A_339, %get3A_343 : vector<16xf32>
        %max3A_345 = arith.constant 0.000000e+00 : f32
        %max3A_346 = vector.broadcast %max3A_345 : f32 to vector<16xf32>
        %max3A_347 = arith.maximumf %add3A_344, %max3A_346 : vector<16xf32>
        %swap3A_348 = arith.index_cast %add3A_268 : i32 to index
        %swap3A_349 = arith.constant 64 : index
        %swap3A_350 = tpu.vector_load %arg14[%swap3A_348, %swap3A_349] {strides = array<i32>} : memref<80x128xf32, #tpu.memory_space<vmem>>, vector<1x16xf32>,
        %swap3A_351 = vector.shape_cast %swap3A_350 : vector<1x16xf32> to vector<16xf32>
        %swap3A_352 = vector.shape_cast %max3A_347 : vector<16xf32> to vector<1x16xf32>
        tpu.vector_store %arg14[%swap3A_348, %swap3A_349], %swap3A_352 {strides = array<i32>} : memref<80x128xf32, #tpu.memory_space<vmem>>, vector<1x16xf32>,
        %get3A_353 = arith.index_cast %add3A_268 : i32 to index
        %get3A_354 = arith.constant 80 : index
        %get3A_355 = tpu.vector_load %arg14[%get3A_353, %get3A_354] {strides = array<i32>} : memref<80x128xf32, #tpu.memory_space<vmem>>, vector<1x16xf32>,
        %get3A_356 = vector.shape_cast %get3A_355 : vector<1x16xf32> to vector<16xf32>
        %get3A_357 = arith.index_cast %add3A_268 : i32 to index
        %get3A_358 = arith.constant 80 : index
        %get3A_359 = tpu.vector_load %arg16[%get3A_357, %get3A_358] {strides = array<i32>} : memref<80x128xf32, #tpu.memory_space<vmem>>, vector<1x16xf32>,
        %get3A_360 = vector.shape_cast %get3A_359 : vector<1x16xf32> to vector<16xf32>
        %add3A_361 = arith.addf %get3A_356, %get3A_360 : vector<16xf32>
        %max3A_362 = arith.constant 0.000000e+00 : f32
        %max3A_363 = vector.broadcast %max3A_362 : f32 to vector<16xf32>
        %max3A_364 = arith.maximumf %add3A_361, %max3A_363 : vector<16xf32>
        %swap3A_365 = arith.index_cast %add3A_268 : i32 to index
        %swap3A_366 = arith.constant 80 : index
        %swap3A_367 = tpu.vector_load %arg14[%swap3A_365, %swap3A_366] {strides = array<i32>} : memref<80x128xf32, #tpu.memory_space<vmem>>, vector<1x16xf32>,
        %swap3A_368 = vector.shape_cast %swap3A_367 : vector<1x16xf32> to vector<16xf32>
        %swap3A_369 = vector.shape_cast %max3A_364 : vector<16xf32> to vector<1x16xf32>
        tpu.vector_store %arg14[%swap3A_365, %swap3A_366], %swap3A_369 {strides = array<i32>} : memref<80x128xf32, #tpu.memory_space<vmem>>, vector<1x16xf32>,
        %get3A_370 = arith.index_cast %add3A_268 : i32 to index
        %get3A_371 = arith.constant 96 : index
        %get3A_372 = tpu.vector_load %arg14[%get3A_370, %get3A_371] {strides = array<i32>} : memref<80x128xf32, #tpu.memory_space<vmem>>, vector<1x16xf32>,
        %get3A_373 = vector.shape_cast %get3A_372 : vector<1x16xf32> to vector<16xf32>
        %get3A_374 = arith.index_cast %add3A_268 : i32 to index
        %get3A_375 = arith.constant 96 : index
        %get3A_376 = tpu.vector_load %arg16[%get3A_374, %get3A_375] {strides = array<i32>} : memref<80x128xf32, #tpu.memory_space<vmem>>, vector<1x16xf32>,
        %get3A_377 = vector.shape_cast %get3A_376 : vector<1x16xf32> to vector<16xf32>
        %add3A_378 = arith.addf %get3A_373, %get3A_377 : vector<16xf32>
        %max3A_379 = arith.constant 0.000000e+00 : f32
        %max3A_380 = vector.broadcast %max3A_379 : f32 to vector<16xf32>
        %max3A_381 = arith.maximumf %add3A_378, %max3A_380 : vector<16xf32>
        %swap3A_382 = arith.index_cast %add3A_268 : i32 to index
        %swap3A_383 = arith.constant 96 : index
        %swap3A_384 = tpu.vector_load %arg14[%swap3A_382, %swap3A_383] {strides = array<i32>} : memref<80x128xf32, #tpu.memory_space<vmem>>, vector<1x16xf32>,
        %swap3A_385 = vector.shape_cast %swap3A_384 : vector<1x16xf32> to vector<16xf32>
        %swap3A_386 = vector.shape_cast %max3A_381 : vector<16xf32> to vector<1x16xf32>
        tpu.vector_store %arg14[%swap3A_382, %swap3A_383], %swap3A_386 {strides = array<i32>} : memref<80x128xf32, #tpu.memory_space<vmem>>, vector<1x16xf32>,
        %get3A_387 = arith.index_cast %add3A_268 : i32 to index
        %get3A_388 = arith.constant 112 : index
        %get3A_389 = tpu.vector_load %arg14[%get3A_387, %get3A_388] {strides = array<i32>} : memref<80x128xf32, #tpu.memory_space<vmem>>, vector<1x16xf32>,
        %get3A_390 = vector.shape_cast %get3A_389 : vector<1x16xf32> to vector<16xf32>
        %get3A_391 = arith.index_cast %add3A_268 : i32 to index
        %get3A_392 = arith.constant 112 : index
        %get3A_393 = tpu.vector_load %arg16[%get3A_391, %get3A_392] {strides = array<i32>} : memref<80x128xf32, #tpu.memory_space<vmem>>, vector<1x16xf32>,
        %get3A_394 = vector.shape_cast %get3A_393 : vector<1x16xf32> to vector<16xf32>
        %add3A_395 = arith.addf %get3A_390, %get3A_394 : vector<16xf32>
        %max3A_396 = arith.constant 0.000000e+00 : f32
        %max3A_397 = vector.broadcast %max3A_396 : f32 to vector<16xf32>
        %max3A_398 = arith.maximumf %add3A_395, %max3A_397 : vector<16xf32>
        %swap3A_399 = arith.index_cast %add3A_268 : i32 to index
        %swap3A_400 = arith.constant 112 : index
        %swap3A_401 = tpu.vector_load %arg14[%swap3A_399, %swap3A_400] {strides = array<i32>} : memref<80x128xf32, #tpu.memory_space<vmem>>, vector<1x16xf32>,
        %swap3A_402 = vector.shape_cast %swap3A_401 : vector<1x16xf32> to vector<16xf32>
        %swap3A_403 = vector.shape_cast %max3A_398 : vector<16xf32> to vector<1x16xf32>
        tpu.vector_store %arg14[%swap3A_399, %swap3A_400], %swap3A_403 {strides = array<i32>} : memref<80x128xf32, #tpu.memory_space<vmem>>, vector<1x16xf32>,
      }
      %scan3A_184 = arith.constant 80 : i32
      %dma_start3A_185 = arith.constant 0 : i32
      %dma_start3A_186 = arith.constant 0 : i32
      %dma_start3A_187 = tpu.memref_slice %arg18[%dma_start3A_185, %dma_start3A_186] : memref<10240x128xf32, #tpu.memory_space<vmem_shared>> -> memref<10240x128xf32, #tpu.memory_space<vmem_shared>>
      tpu.enqueue_indirect_dma source(%arg14 : memref<80x128xf32, #tpu.memory_space<vmem>>) target(%dma_start3A_187 : memref<10240x128xf32, #tpu.memory_space<vmem_shared>>) offsets(%arg12 : memref<80xi32, #tpu.memory_space<vmem>>) semaphore(%arg25 : memref<!tpu.dma_semaphore, #tpu.memory_space<semaphore_mem>>) {add = true}
      %add3A_188 = arith.constant 1 : i32
      %add3A_189 = arith.addi %mul3A_117, %add3A_188 : i32
      %dma_wait3A_190 = arith.constant 0 : i32
      %dma_wait3A_191 = arith.constant 0 : i32
      %dma_wait3A_192 = tpu.memref_slice %arg6[%dma_wait3A_190, %dma_wait3A_191] : memref<640x128xf32, #tpu.memory_space<hbm>> -> memref<80x128xf32, #tpu.memory_space<hbm>>
      %dma_wait3A_193 = arith.constant 0 : i32
      %dma_wait3A_194 = arith.constant 0 : i32
      %dma_wait3A_195 = tpu.memref_slice %arg6[%dma_wait3A_193, %dma_wait3A_194] : memref<640x128xf32, #tpu.memory_space<hbm>> -> memref<80x128xf32, #tpu.memory_space<hbm>>
      tpu.wait_dma2 semaphore(%arg22 : memref<!tpu.dma_semaphore, #tpu.memory_space<semaphore_mem>>) src(%dma_wait3A_195 : memref<80x128xf32, #tpu.memory_space<hbm>>) dst(%arg15 : memref<80x128xf32, #tpu.memory_space<vmem>>)
      %dma_wait3A_196 = arith.constant 0 : i32
      %dma_wait3A_197 = arith.constant 0 : i32
      %dma_wait3A_198 = tpu.memref_slice %arg6[%dma_wait3A_196, %dma_wait3A_197] : memref<640x128xf32, #tpu.memory_space<hbm>> -> memref<80x128xf32, #tpu.memory_space<hbm>>
      %dma_wait3A_199 = arith.constant 0 : i32
      %dma_wait3A_200 = arith.constant 0 : i32
      %dma_wait3A_201 = tpu.memref_slice %arg6[%dma_wait3A_199, %dma_wait3A_200] : memref<640x128xf32, #tpu.memory_space<hbm>> -> memref<80x128xf32, #tpu.memory_space<hbm>>
      tpu.wait_dma2 semaphore(%arg24 : memref<!tpu.dma_semaphore, #tpu.memory_space<semaphore_mem>>) src(%dma_wait3A_201 : memref<80x128xf32, #tpu.memory_space<hbm>>) dst(%arg17 : memref<80x128xf32, #tpu.memory_space<vmem>>)
      %gt3A_202 = arith.constant 0 : i32
      %gt3A_203 = arith.cmpi sgt, %add3A_189, %gt3A_202 : i32
      %convert_element_type3A_204 = arith.extui %gt3A_203 : i1 to i32
      %cond3A_205 = arith.constant 0 : i32
      %cond3A_206 = arith.cmpi ne, %convert_element_type3A_204, %cond3A_205 : i32
      scf.if %cond3A_206 {
        %dma_wait3A_264 = arith.constant 0 : i32
        %dma_wait3A_265 = arith.constant 0 : i32
        %dma_wait3A_266 = tpu.memref_slice %arg6[%dma_wait3A_264, %dma_wait3A_265] : memref<640x128xf32, #tpu.memory_space<hbm>> -> memref<80x128xf32, #tpu.memory_space<hbm>>
        %dma_wait3A_267 = arith.constant 0 : i32
        %dma_wait3A_268 = arith.constant 0 : i32
        %dma_wait3A_269 = tpu.memref_slice %arg6[%dma_wait3A_267, %dma_wait3A_268] : memref<640x128xf32, #tpu.memory_space<hbm>> -> memref<80x128xf32, #tpu.memory_space<hbm>>
        tpu.wait_dma2 semaphore(%arg25 : memref<!tpu.dma_semaphore, #tpu.memory_space<semaphore_mem>>) src(%dma_wait3A_269 : memref<80x128xf32, #tpu.memory_space<hbm>>) dst(%arg14 : memref<80x128xf32, #tpu.memory_space<vmem>>)
      } else {
      }
      %add3A_207 = arith.constant 1 : i32
      %add3A_208 = arith.addi %add3A_189, %add3A_207 : i32
      %lt3A_209 = arith.constant 125 : i32
      %lt3A_210 = arith.cmpi slt, %add3A_208, %lt3A_209 : i32
      %convert_element_type3A_211 = arith.extui %lt3A_210 : i1 to i32
      %cond3A_212 = arith.constant 0 : i32
      %cond3A_213 = arith.cmpi ne, %convert_element_type3A_211, %cond3A_212 : i32
      scf.if %cond3A_213 {
        %dma_wait3A_264 = arith.constant 0 : i32
        %dma_wait3A_265 = tpu.memref_slice %arg4[%dma_wait3A_264] : memref<320000xi32, #tpu.memory_space<hbm>> -> memref<80xi32, #tpu.memory_space<hbm>>
        %dma_wait3A_266 = arith.constant 0 : i32
        %dma_wait3A_267 = tpu.memref_slice %arg4[%dma_wait3A_266] : memref<320000xi32, #tpu.memory_space<hbm>> -> memref<80xi32, #tpu.memory_space<hbm>>
        tpu.wait_dma2 semaphore(%arg19 : memref<!tpu.dma_semaphore, #tpu.memory_space<semaphore_mem>>) src(%dma_wait3A_267 : memref<80xi32, #tpu.memory_space<hbm>>) dst(%arg8 : memref<80xi32, #tpu.memory_space<vmem>>)
        %dma_wait3A_268 = arith.constant 0 : i32
        %dma_wait3A_269 = tpu.memref_slice %arg5[%dma_wait3A_268] : memref<320000xi32, #tpu.memory_space<hbm>> -> memref<80xi32, #tpu.memory_space<hbm>>
        %dma_wait3A_270 = arith.constant 0 : i32
        %dma_wait3A_271 = tpu.memref_slice %arg5[%dma_wait3A_270] : memref<320000xi32, #tpu.memory_space<hbm>> -> memref<80xi32, #tpu.memory_space<hbm>>
        tpu.wait_dma2 semaphore(%arg19 : memref<!tpu.dma_semaphore, #tpu.memory_space<semaphore_mem>>) src(%dma_wait3A_271 : memref<80xi32, #tpu.memory_space<hbm>>) dst(%arg10 : memref<80xi32, #tpu.memory_space<vmem>>)
        %add3A_272 = arith.constant 1 : i32
        %add3A_273 = arith.addi %add3A_189, %add3A_272 : i32
        %add3A_274 = arith.constant 0 : i32
        %add3A_275 = arith.addi %add3A_274, %multiple_of3A : i32
        %mul3A_276 = arith.constant 80 : i32
        %mul3A_277 = arith.muli %add3A_273, %mul3A_276 : i32
        %add3A_278 = arith.addi %add3A_275, %mul3A_277 : i32
        %multiple_of3A_279 = tpu.assume_multiple %add3A_278, 8 : i32
        %dma_start3A_280 = arith.constant 0 : i32
        %dma_start3A_281 = tpu.memref_slice %arg3[%multiple_of3A_279, %dma_start3A_280] : memref<1600000x128xf32, #tpu.memory_space<hbm>> -> memref<80x128xf32, #tpu.memory_space<hbm>>
        %dma_start3A_282 = arith.constant 0 : i32
        %dma_start3A_283 = tpu.memref_slice %arg3[%multiple_of3A_279, %dma_start3A_282] : memref<1600000x128xf32, #tpu.memory_space<hbm>> -> memref<80x128xf32, #tpu.memory_space<hbm>>
        tpu.enqueue_dma source(%dma_start3A_283 : memref<80x128xf32, #tpu.memory_space<hbm>>) target(%arg14 : memref<80x128xf32, #tpu.memory_space<vmem>>) target_semaphore(%arg21 : memref<!tpu.dma_semaphore, #tpu.memory_space<semaphore_mem>>)
        %dma_start3A_284 = arith.constant 0 : i32
        %dma_start3A_285 = arith.constant 0 : i32
        %dma_start3A_286 = tpu.memref_slice %arg2[%dma_start3A_284, %dma_start3A_285] : memref<10000x128xf32, #tpu.memory_space<hbm>> -> memref<10000x128xf32, #tpu.memory_space<hbm>>
        tpu.enqueue_indirect_dma source(%dma_start3A_286 : memref<10000x128xf32, #tpu.memory_space<hbm>>) target(%arg16 : memref<80x128xf32, #tpu.memory_space<vmem>>) offsets(%arg8 : memref<80xi32, #tpu.memory_space<vmem>>) semaphore(%arg23 : memref<!tpu.dma_semaphore, #tpu.memory_space<semaphore_mem>>)
      } else {
      }
      %get3A_214 = arith.constant 0 : index
      %get3A_215 = tpu.vector_load %arg11[%get3A_214] {strides = array<i32>} : memref<80xi32, #tpu.memory_space<vmem>>, vector<16xi32>,
      %get3A_216 = vector.shape_cast %get3A_215 : vector<16xi32> to vector<16xi32>
      %swap3A_217 = arith.constant 0 : index
      %swap3A_218 = tpu.vector_load %arg13[%swap3A_217] {strides = array<i32>} : memref<80xi32, #tpu.memory_space<vmem>>, vector<16xi32>,
      %swap3A_219 = vector.shape_cast %swap3A_218 : vector<16xi32> to vector<16xi32>
      %swap3A_220 = vector.shape_cast %get3A_216 : vector<16xi32> to vector<16xi32>
      tpu.vector_store %arg13[%swap3A_217], %swap3A_220 {strides = array<i32>} : memref<80xi32, #tpu.memory_space<vmem>>, vector<16xi32>,
      %get3A_221 = arith.constant 16 : index
      %get3A_222 = tpu.vector_load %arg11[%get3A_221] {strides = array<i32>} : memref<80xi32, #tpu.memory_space<vmem>>, vector<16xi32>,
      %get3A_223 = vector.shape_cast %get3A_222 : vector<16xi32> to vector<16xi32>
      %swap3A_224 = arith.constant 16 : index
      %swap3A_225 = tpu.vector_load %arg13[%swap3A_224] {strides = array<i32>} : memref<80xi32, #tpu.memory_space<vmem>>, vector<16xi32>,
      %swap3A_226 = vector.shape_cast %swap3A_225 : vector<16xi32> to vector<16xi32>
      %swap3A_227 = vector.shape_cast %get3A_223 : vector<16xi32> to vector<16xi32>
      tpu.vector_store %arg13[%swap3A_224], %swap3A_227 {strides = array<i32>} : memref<80xi32, #tpu.memory_space<vmem>>, vector<16xi32>,
      %get3A_228 = arith.constant 32 : index
      %get3A_229 = tpu.vector_load %arg11[%get3A_228] {strides = array<i32>} : memref<80xi32, #tpu.memory_space<vmem>>, vector<16xi32>,
      %get3A_230 = vector.shape_cast %get3A_229 : vector<16xi32> to vector<16xi32>
      %swap3A_231 = arith.constant 32 : index
      %swap3A_232 = tpu.vector_load %arg13[%swap3A_231] {strides = array<i32>} : memref<80xi32, #tpu.memory_space<vmem>>, vector<16xi32>,
      %swap3A_233 = vector.shape_cast %swap3A_232 : vector<16xi32> to vector<16xi32>
      %swap3A_234 = vector.shape_cast %get3A_230 : vector<16xi32> to vector<16xi32>
      tpu.vector_store %arg13[%swap3A_231], %swap3A_234 {strides = array<i32>} : memref<80xi32, #tpu.memory_space<vmem>>, vector<16xi32>,
      %get3A_235 = arith.constant 48 : index
      %get3A_236 = tpu.vector_load %arg11[%get3A_235] {strides = array<i32>} : memref<80xi32, #tpu.memory_space<vmem>>, vector<16xi32>,
      %get3A_237 = vector.shape_cast %get3A_236 : vector<16xi32> to vector<16xi32>
      %swap3A_238 = arith.constant 48 : index
      %swap3A_239 = tpu.vector_load %arg13[%swap3A_238] {strides = array<i32>} : memref<80xi32, #tpu.memory_space<vmem>>, vector<16xi32>,
      %swap3A_240 = vector.shape_cast %swap3A_239 : vector<16xi32> to vector<16xi32>
      %swap3A_241 = vector.shape_cast %get3A_237 : vector<16xi32> to vector<16xi32>
      tpu.vector_store %arg13[%swap3A_238], %swap3A_241 {strides = array<i32>} : memref<80xi32, #tpu.memory_space<vmem>>, vector<16xi32>,
      %get3A_242 = arith.constant 64 : index
      %get3A_243 = tpu.vector_load %arg11[%get3A_242] {strides = array<i32>} : memref<80xi32, #tpu.memory_space<vmem>>, vector<16xi32>,
      %get3A_244 = vector.shape_cast %get3A_243 : vector<16xi32> to vector<16xi32>
      %swap3A_245 = arith.constant 64 : index
      %swap3A_246 = tpu.vector_load %arg13[%swap3A_245] {strides = array<i32>} : memref<80xi32, #tpu.memory_space<vmem>>, vector<16xi32>,
      %swap3A_247 = vector.shape_cast %swap3A_246 : vector<16xi32> to vector<16xi32>
      %swap3A_248 = vector.shape_cast %get3A_244 : vector<16xi32> to vector<16xi32>
      tpu.vector_store %arg13[%swap3A_245], %swap3A_248 {strides = array<i32>} : memref<80xi32, #tpu.memory_space<vmem>>, vector<16xi32>,
      %add3A_249 = arith.constant 2 : i32
      %add3A_250 = arith.addi %add3A_189, %add3A_249 : i32
      %lt3A_251 = arith.constant 125 : i32
      %lt3A_252 = arith.cmpi slt, %add3A_250, %lt3A_251 : i32
      %convert_element_type3A_253 = arith.extui %lt3A_252 : i1 to i32
      %cond3A_254 = arith.constant 0 : i32
      %cond3A_255 = arith.cmpi ne, %convert_element_type3A_253, %cond3A_254 : i32
      scf.if %cond3A_255 {
        %add3A_264 = arith.constant 2 : i32
        %add3A_265 = arith.addi %add3A_189, %add3A_264 : i32
        %mul3A_266 = arith.constant 80 : i32
        %mul3A_267 = arith.muli %add3A_265, %mul3A_266 : i32
        %add3A_268 = arith.addi %multiple_of3A, %mul3A_267 : i32
        %multiple_of3A_269 = tpu.assume_multiple %add3A_268, 8 : i32
        %dma_start3A_270 = tpu.memref_slice %arg4[%multiple_of3A_269] : memref<320000xi32, #tpu.memory_space<hbm>> -> memref<80xi32, #tpu.memory_space<hbm>>
        %dma_start3A_271 = tpu.memref_slice %arg4[%multiple_of3A_269] : memref<320000xi32, #tpu.memory_space<hbm>> -> memref<80xi32, #tpu.memory_space<hbm>>
        tpu.enqueue_dma source(%dma_start3A_271 : memref<80xi32, #tpu.memory_space<hbm>>) target(%arg9 : memref<80xi32, #tpu.memory_space<vmem>>) target_semaphore(%arg20 : memref<!tpu.dma_semaphore, #tpu.memory_space<semaphore_mem>>)
        %dma_start3A_272 = tpu.memref_slice %arg5[%multiple_of3A_269] : memref<320000xi32, #tpu.memory_space<hbm>> -> memref<80xi32, #tpu.memory_space<hbm>>
        %dma_start3A_273 = tpu.memref_slice %arg5[%multiple_of3A_269] : memref<320000xi32, #tpu.memory_space<hbm>> -> memref<80xi32, #tpu.memory_space<hbm>>
        tpu.enqueue_dma source(%dma_start3A_273 : memref<80xi32, #tpu.memory_space<hbm>>) target(%arg11 : memref<80xi32, #tpu.memory_space<vmem>>) target_semaphore(%arg20 : memref<!tpu.dma_semaphore, #tpu.memory_space<semaphore_mem>>)
      } else {
      }
      %scan3A_256 = arith.constant 0 : i32
      %scan3A_257 = arith.constant 80 : i32
      %scan3A_258 = arith.addi %scan3A_256, %scan3A_257 : i32
      %scan3A_259 = arith.constant 1 : i32
      scf.for %scan3A_264 = %scan3A_256 to %scan3A_258 step %scan3A_259  : i32 {
        %mul3A_265 = arith.constant 1 : i32
        %mul3A_266 = arith.muli %scan3A_264, %mul3A_265 : i32
        %add3A_267 = arith.constant 0 : i32
        %add3A_268 = arith.addi %add3A_267, %mul3A_266 : i32
        %get3A_269 = arith.index_cast %add3A_268 : i32 to index
        %get3A_270 = arith.constant 0 : index
        %get3A_271 = tpu.vector_load %arg15[%get3A_269, %get3A_270] {strides = array<i32>} : memref<80x128xf32, #tpu.memory_space<vmem>>, vector<1x16xf32>,
        %get3A_272 = vector.shape_cast %get3A_271 : vector<1x16xf32> to vector<16xf32>
        %get3A_273 = arith.index_cast %add3A_268 : i32 to index
        %get3A_274 = arith.constant 0 : index
        %get3A_275 = tpu.vector_load %arg17[%get3A_273, %get3A_274] {strides = array<i32>} : memref<80x128xf32, #tpu.memory_space<vmem>>, vector<1x16xf32>,
        %get3A_276 = vector.shape_cast %get3A_275 : vector<1x16xf32> to vector<16xf32>
        %add3A_277 = arith.addf %get3A_272, %get3A_276 : vector<16xf32>
        %max3A = arith.constant 0.000000e+00 : f32
        %max3A_278 = vector.broadcast %max3A : f32 to vector<16xf32>
        %max3A_279 = arith.maximumf %add3A_277, %max3A_278 : vector<16xf32>
        %swap3A_280 = arith.index_cast %add3A_268 : i32 to index
        %swap3A_281 = arith.constant 0 : index
        %swap3A_282 = tpu.vector_load %arg15[%swap3A_280, %swap3A_281] {strides = array<i32>} : memref<80x128xf32, #tpu.memory_space<vmem>>, vector<1x16xf32>,
        %swap3A_283 = vector.shape_cast %swap3A_282 : vector<1x16xf32> to vector<16xf32>
        %swap3A_284 = vector.shape_cast %max3A_279 : vector<16xf32> to vector<1x16xf32>
        tpu.vector_store %arg15[%swap3A_280, %swap3A_281], %swap3A_284 {strides = array<i32>} : memref<80x128xf32, #tpu.memory_space<vmem>>, vector<1x16xf32>,
        %get3A_285 = arith.index_cast %add3A_268 : i32 to index
        %get3A_286 = arith.constant 16 : index
        %get3A_287 = tpu.vector_load %arg15[%get3A_285, %get3A_286] {strides = array<i32>} : memref<80x128xf32, #tpu.memory_space<vmem>>, vector<1x16xf32>,
        %get3A_288 = vector.shape_cast %get3A_287 : vector<1x16xf32> to vector<16xf32>
        %get3A_289 = arith.index_cast %add3A_268 : i32 to index
        %get3A_290 = arith.constant 16 : index
        %get3A_291 = tpu.vector_load %arg17[%get3A_289, %get3A_290] {strides = array<i32>} : memref<80x128xf32, #tpu.memory_space<vmem>>, vector<1x16xf32>,
        %get3A_292 = vector.shape_cast %get3A_291 : vector<1x16xf32> to vector<16xf32>
        %add3A_293 = arith.addf %get3A_288, %get3A_292 : vector<16xf32>
        %max3A_294 = arith.constant 0.000000e+00 : f32
        %max3A_295 = vector.broadcast %max3A_294 : f32 to vector<16xf32>
        %max3A_296 = arith.maximumf %add3A_293, %max3A_295 : vector<16xf32>
        %swap3A_297 = arith.index_cast %add3A_268 : i32 to index
        %swap3A_298 = arith.constant 16 : index
        %swap3A_299 = tpu.vector_load %arg15[%swap3A_297, %swap3A_298] {strides = array<i32>} : memref<80x128xf32, #tpu.memory_space<vmem>>, vector<1x16xf32>,
        %swap3A_300 = vector.shape_cast %swap3A_299 : vector<1x16xf32> to vector<16xf32>
        %swap3A_301 = vector.shape_cast %max3A_296 : vector<16xf32> to vector<1x16xf32>
        tpu.vector_store %arg15[%swap3A_297, %swap3A_298], %swap3A_301 {strides = array<i32>} : memref<80x128xf32, #tpu.memory_space<vmem>>, vector<1x16xf32>,
        %get3A_302 = arith.index_cast %add3A_268 : i32 to index
        %get3A_303 = arith.constant 32 : index
        %get3A_304 = tpu.vector_load %arg15[%get3A_302, %get3A_303] {strides = array<i32>} : memref<80x128xf32, #tpu.memory_space<vmem>>, vector<1x16xf32>,
        %get3A_305 = vector.shape_cast %get3A_304 : vector<1x16xf32> to vector<16xf32>
        %get3A_306 = arith.index_cast %add3A_268 : i32 to index
        %get3A_307 = arith.constant 32 : index
        %get3A_308 = tpu.vector_load %arg17[%get3A_306, %get3A_307] {strides = array<i32>} : memref<80x128xf32, #tpu.memory_space<vmem>>, vector<1x16xf32>,
        %get3A_309 = vector.shape_cast %get3A_308 : vector<1x16xf32> to vector<16xf32>
        %add3A_310 = arith.addf %get3A_305, %get3A_309 : vector<16xf32>
        %max3A_311 = arith.constant 0.000000e+00 : f32
        %max3A_312 = vector.broadcast %max3A_311 : f32 to vector<16xf32>
        %max3A_313 = arith.maximumf %add3A_310, %max3A_312 : vector<16xf32>
        %swap3A_314 = arith.index_cast %add3A_268 : i32 to index
        %swap3A_315 = arith.constant 32 : index
        %swap3A_316 = tpu.vector_load %arg15[%swap3A_314, %swap3A_315] {strides = array<i32>} : memref<80x128xf32, #tpu.memory_space<vmem>>, vector<1x16xf32>,
        %swap3A_317 = vector.shape_cast %swap3A_316 : vector<1x16xf32> to vector<16xf32>
        %swap3A_318 = vector.shape_cast %max3A_313 : vector<16xf32> to vector<1x16xf32>
        tpu.vector_store %arg15[%swap3A_314, %swap3A_315], %swap3A_318 {strides = array<i32>} : memref<80x128xf32, #tpu.memory_space<vmem>>, vector<1x16xf32>,
        %get3A_319 = arith.index_cast %add3A_268 : i32 to index
        %get3A_320 = arith.constant 48 : index
        %get3A_321 = tpu.vector_load %arg15[%get3A_319, %get3A_320] {strides = array<i32>} : memref<80x128xf32, #tpu.memory_space<vmem>>, vector<1x16xf32>,
        %get3A_322 = vector.shape_cast %get3A_321 : vector<1x16xf32> to vector<16xf32>
        %get3A_323 = arith.index_cast %add3A_268 : i32 to index
        %get3A_324 = arith.constant 48 : index
        %get3A_325 = tpu.vector_load %arg17[%get3A_323, %get3A_324] {strides = array<i32>} : memref<80x128xf32, #tpu.memory_space<vmem>>, vector<1x16xf32>,
        %get3A_326 = vector.shape_cast %get3A_325 : vector<1x16xf32> to vector<16xf32>
        %add3A_327 = arith.addf %get3A_322, %get3A_326 : vector<16xf32>
        %max3A_328 = arith.constant 0.000000e+00 : f32
        %max3A_329 = vector.broadcast %max3A_328 : f32 to vector<16xf32>
        %max3A_330 = arith.maximumf %add3A_327, %max3A_329 : vector<16xf32>
        %swap3A_331 = arith.index_cast %add3A_268 : i32 to index
        %swap3A_332 = arith.constant 48 : index
        %swap3A_333 = tpu.vector_load %arg15[%swap3A_331, %swap3A_332] {strides = array<i32>} : memref<80x128xf32, #tpu.memory_space<vmem>>, vector<1x16xf32>,
        %swap3A_334 = vector.shape_cast %swap3A_333 : vector<1x16xf32> to vector<16xf32>
        %swap3A_335 = vector.shape_cast %max3A_330 : vector<16xf32> to vector<1x16xf32>
        tpu.vector_store %arg15[%swap3A_331, %swap3A_332], %swap3A_335 {strides = array<i32>} : memref<80x128xf32, #tpu.memory_space<vmem>>, vector<1x16xf32>,
        %get3A_336 = arith.index_cast %add3A_268 : i32 to index
        %get3A_337 = arith.constant 64 : index
        %get3A_338 = tpu.vector_load %arg15[%get3A_336, %get3A_337] {strides = array<i32>} : memref<80x128xf32, #tpu.memory_space<vmem>>, vector<1x16xf32>,
        %get3A_339 = vector.shape_cast %get3A_338 : vector<1x16xf32> to vector<16xf32>
        %get3A_340 = arith.index_cast %add3A_268 : i32 to index
        %get3A_341 = arith.constant 64 : index
        %get3A_342 = tpu.vector_load %arg17[%get3A_340, %get3A_341] {strides = array<i32>} : memref<80x128xf32, #tpu.memory_space<vmem>>, vector<1x16xf32>,
        %get3A_343 = vector.shape_cast %get3A_342 : vector<1x16xf32> to vector<16xf32>
        %add3A_344 = arith.addf %get3A_339, %get3A_343 : vector<16xf32>
        %max3A_345 = arith.constant 0.000000e+00 : f32
        %max3A_346 = vector.broadcast %max3A_345 : f32 to vector<16xf32>
        %max3A_347 = arith.maximumf %add3A_344, %max3A_346 : vector<16xf32>
        %swap3A_348 = arith.index_cast %add3A_268 : i32 to index
        %swap3A_349 = arith.constant 64 : index
        %swap3A_350 = tpu.vector_load %arg15[%swap3A_348, %swap3A_349] {strides = array<i32>} : memref<80x128xf32, #tpu.memory_space<vmem>>, vector<1x16xf32>,
        %swap3A_351 = vector.shape_cast %swap3A_350 : vector<1x16xf32> to vector<16xf32>
        %swap3A_352 = vector.shape_cast %max3A_347 : vector<16xf32> to vector<1x16xf32>
        tpu.vector_store %arg15[%swap3A_348, %swap3A_349], %swap3A_352 {strides = array<i32>} : memref<80x128xf32, #tpu.memory_space<vmem>>, vector<1x16xf32>,
        %get3A_353 = arith.index_cast %add3A_268 : i32 to index
        %get3A_354 = arith.constant 80 : index
        %get3A_355 = tpu.vector_load %arg15[%get3A_353, %get3A_354] {strides = array<i32>} : memref<80x128xf32, #tpu.memory_space<vmem>>, vector<1x16xf32>,
        %get3A_356 = vector.shape_cast %get3A_355 : vector<1x16xf32> to vector<16xf32>
        %get3A_357 = arith.index_cast %add3A_268 : i32 to index
        %get3A_358 = arith.constant 80 : index
        %get3A_359 = tpu.vector_load %arg17[%get3A_357, %get3A_358] {strides = array<i32>} : memref<80x128xf32, #tpu.memory_space<vmem>>, vector<1x16xf32>,
        %get3A_360 = vector.shape_cast %get3A_359 : vector<1x16xf32> to vector<16xf32>
        %add3A_361 = arith.addf %get3A_356, %get3A_360 : vector<16xf32>
        %max3A_362 = arith.constant 0.000000e+00 : f32
        %max3A_363 = vector.broadcast %max3A_362 : f32 to vector<16xf32>
        %max3A_364 = arith.maximumf %add3A_361, %max3A_363 : vector<16xf32>
        %swap3A_365 = arith.index_cast %add3A_268 : i32 to index
        %swap3A_366 = arith.constant 80 : index
        %swap3A_367 = tpu.vector_load %arg15[%swap3A_365, %swap3A_366] {strides = array<i32>} : memref<80x128xf32, #tpu.memory_space<vmem>>, vector<1x16xf32>,
        %swap3A_368 = vector.shape_cast %swap3A_367 : vector<1x16xf32> to vector<16xf32>
        %swap3A_369 = vector.shape_cast %max3A_364 : vector<16xf32> to vector<1x16xf32>
        tpu.vector_store %arg15[%swap3A_365, %swap3A_366], %swap3A_369 {strides = array<i32>} : memref<80x128xf32, #tpu.memory_space<vmem>>, vector<1x16xf32>,
        %get3A_370 = arith.index_cast %add3A_268 : i32 to index
        %get3A_371 = arith.constant 96 : index
        %get3A_372 = tpu.vector_load %arg15[%get3A_370, %get3A_371] {strides = array<i32>} : memref<80x128xf32, #tpu.memory_space<vmem>>, vector<1x16xf32>,
        %get3A_373 = vector.shape_cast %get3A_372 : vector<1x16xf32> to vector<16xf32>
        %get3A_374 = arith.index_cast %add3A_268 : i32 to index
        %get3A_375 = arith.constant 96 : index
        %get3A_376 = tpu.vector_load %arg17[%get3A_374, %get3A_375] {strides = array<i32>} : memref<80x128xf32, #tpu.memory_space<vmem>>, vector<1x16xf32>,
        %get3A_377 = vector.shape_cast %get3A_376 : vector<1x16xf32> to vector<16xf32>
        %add3A_378 = arith.addf %get3A_373, %get3A_377 : vector<16xf32>
        %max3A_379 = arith.constant 0.000000e+00 : f32
        %max3A_380 = vector.broadcast %max3A_379 : f32 to vector<16xf32>
        %max3A_381 = arith.maximumf %add3A_378, %max3A_380 : vector<16xf32>
        %swap3A_382 = arith.index_cast %add3A_268 : i32 to index
        %swap3A_383 = arith.constant 96 : index
        %swap3A_384 = tpu.vector_load %arg15[%swap3A_382, %swap3A_383] {strides = array<i32>} : memref<80x128xf32, #tpu.memory_space<vmem>>, vector<1x16xf32>,
        %swap3A_385 = vector.shape_cast %swap3A_384 : vector<1x16xf32> to vector<16xf32>
        %swap3A_386 = vector.shape_cast %max3A_381 : vector<16xf32> to vector<1x16xf32>
        tpu.vector_store %arg15[%swap3A_382, %swap3A_383], %swap3A_386 {strides = array<i32>} : memref<80x128xf32, #tpu.memory_space<vmem>>, vector<1x16xf32>,
        %get3A_387 = arith.index_cast %add3A_268 : i32 to index
        %get3A_388 = arith.constant 112 : index
        %get3A_389 = tpu.vector_load %arg15[%get3A_387, %get3A_388] {strides = array<i32>} : memref<80x128xf32, #tpu.memory_space<vmem>>, vector<1x16xf32>,
        %get3A_390 = vector.shape_cast %get3A_389 : vector<1x16xf32> to vector<16xf32>
        %get3A_391 = arith.index_cast %add3A_268 : i32 to index
        %get3A_392 = arith.constant 112 : index
        %get3A_393 = tpu.vector_load %arg17[%get3A_391, %get3A_392] {strides = array<i32>} : memref<80x128xf32, #tpu.memory_space<vmem>>, vector<1x16xf32>,
        %get3A_394 = vector.shape_cast %get3A_393 : vector<1x16xf32> to vector<16xf32>
        %add3A_395 = arith.addf %get3A_390, %get3A_394 : vector<16xf32>
        %max3A_396 = arith.constant 0.000000e+00 : f32
        %max3A_397 = vector.broadcast %max3A_396 : f32 to vector<16xf32>
        %max3A_398 = arith.maximumf %add3A_395, %max3A_397 : vector<16xf32>
        %swap3A_399 = arith.index_cast %add3A_268 : i32 to index
        %swap3A_400 = arith.constant 112 : index
        %swap3A_401 = tpu.vector_load %arg15[%swap3A_399, %swap3A_400] {strides = array<i32>} : memref<80x128xf32, #tpu.memory_space<vmem>>, vector<1x16xf32>,
        %swap3A_402 = vector.shape_cast %swap3A_401 : vector<1x16xf32> to vector<16xf32>
        %swap3A_403 = vector.shape_cast %max3A_398 : vector<16xf32> to vector<1x16xf32>
        tpu.vector_store %arg15[%swap3A_399, %swap3A_400], %swap3A_403 {strides = array<i32>} : memref<80x128xf32, #tpu.memory_space<vmem>>, vector<1x16xf32>,
      }
      %scan3A_260 = arith.constant 80 : i32
      %dma_start3A_261 = arith.constant 0 : i32
      %dma_start3A_262 = arith.constant 0 : i32
      %dma_start3A_263 = tpu.memref_slice %arg18[%dma_start3A_261, %dma_start3A_262] : memref<10240x128xf32, #tpu.memory_space<vmem_shared>> -> memref<10240x128xf32, #tpu.memory_space<vmem_shared>>
      tpu.enqueue_indirect_dma source(%arg15 : memref<80x128xf32, #tpu.memory_space<vmem>>) target(%dma_start3A_263 : memref<10240x128xf32, #tpu.memory_space<vmem_shared>>) offsets(%arg13 : memref<80xi32, #tpu.memory_space<vmem>>) semaphore(%arg26 : memref<!tpu.dma_semaphore, #tpu.memory_space<semaphore_mem>>) {add = true}
    }
    %scan3A_41 = arith.constant 62 : i32
    %dma_wait3A_42 = arith.constant 0 : i32
    %dma_wait3A_43 = arith.constant 0 : i32
    %dma_wait3A_44 = tpu.memref_slice %arg6[%dma_wait3A_42, %dma_wait3A_43] : memref<640x128xf32, #tpu.memory_space<hbm>> -> memref<80x128xf32, #tpu.memory_space<hbm>>
    %dma_wait3A_45 = arith.constant 0 : i32
    %dma_wait3A_46 = arith.constant 0 : i32
    %dma_wait3A_47 = tpu.memref_slice %arg6[%dma_wait3A_45, %dma_wait3A_46] : memref<640x128xf32, #tpu.memory_space<hbm>> -> memref<80x128xf32, #tpu.memory_space<hbm>>
    tpu.wait_dma2 semaphore(%arg21 : memref<!tpu.dma_semaphore, #tpu.memory_space<semaphore_mem>>) src(%dma_wait3A_47 : memref<80x128xf32, #tpu.memory_space<hbm>>) dst(%arg14 : memref<80x128xf32, #tpu.memory_space<vmem>>)
    %dma_wait3A_48 = arith.constant 0 : i32
    %dma_wait3A_49 = arith.constant 0 : i32
    %dma_wait3A_50 = tpu.memref_slice %arg6[%dma_wait3A_48, %dma_wait3A_49] : memref<640x128xf32, #tpu.memory_space<hbm>> -> memref<80x128xf32, #tpu.memory_space<hbm>>
    %dma_wait3A_51 = arith.constant 0 : i32
    %dma_wait3A_52 = arith.constant 0 : i32
    %dma_wait3A_53 = tpu.memref_slice %arg6[%dma_wait3A_51, %dma_wait3A_52] : memref<640x128xf32, #tpu.memory_space<hbm>> -> memref<80x128xf32, #tpu.memory_space<hbm>>
    tpu.wait_dma2 semaphore(%arg23 : memref<!tpu.dma_semaphore, #tpu.memory_space<semaphore_mem>>) src(%dma_wait3A_53 : memref<80x128xf32, #tpu.memory_space<hbm>>) dst(%arg16 : memref<80x128xf32, #tpu.memory_space<vmem>>)
    %dma_wait3A_54 = arith.constant 0 : i32
    %dma_wait3A_55 = arith.constant 0 : i32
    %dma_wait3A_56 = tpu.memref_slice %arg6[%dma_wait3A_54, %dma_wait3A_55] : memref<640x128xf32, #tpu.memory_space<hbm>> -> memref<80x128xf32, #tpu.memory_space<hbm>>
    %dma_wait3A_57 = arith.constant 0 : i32
    %dma_wait3A_58 = arith.constant 0 : i32
    %dma_wait3A_59 = tpu.memref_slice %arg6[%dma_wait3A_57, %dma_wait3A_58] : memref<640x128xf32, #tpu.memory_space<hbm>> -> memref<80x128xf32, #tpu.memory_space<hbm>>
    tpu.wait_dma2 semaphore(%arg26 : memref<!tpu.dma_semaphore, #tpu.memory_space<semaphore_mem>>) src(%dma_wait3A_59 : memref<80x128xf32, #tpu.memory_space<hbm>>) dst(%arg15 : memref<80x128xf32, #tpu.memory_space<vmem>>)
    %get3A = arith.constant 0 : index
    %get3A_60 = tpu.vector_load %arg10[%get3A] {strides = array<i32>} : memref<80xi32, #tpu.memory_space<vmem>>, vector<16xi32>,
    %get3A_61 = vector.shape_cast %get3A_60 : vector<16xi32> to vector<16xi32>
    %swap3A = arith.constant 0 : index
    %swap3A_62 = tpu.vector_load %arg12[%swap3A] {strides = array<i32>} : memref<80xi32, #tpu.memory_space<vmem>>, vector<16xi32>,
    %swap3A_63 = vector.shape_cast %swap3A_62 : vector<16xi32> to vector<16xi32>
    %swap3A_64 = vector.shape_cast %get3A_61 : vector<16xi32> to vector<16xi32>
    tpu.vector_store %arg12[%swap3A], %swap3A_64 {strides = array<i32>} : memref<80xi32, #tpu.memory_space<vmem>>, vector<16xi32>,
    %get3A_65 = arith.constant 16 : index
    %get3A_66 = tpu.vector_load %arg10[%get3A_65] {strides = array<i32>} : memref<80xi32, #tpu.memory_space<vmem>>, vector<16xi32>,
    %get3A_67 = vector.shape_cast %get3A_66 : vector<16xi32> to vector<16xi32>
    %swap3A_68 = arith.constant 16 : index
    %swap3A_69 = tpu.vector_load %arg12[%swap3A_68] {strides = array<i32>} : memref<80xi32, #tpu.memory_space<vmem>>, vector<16xi32>,
    %swap3A_70 = vector.shape_cast %swap3A_69 : vector<16xi32> to vector<16xi32>
    %swap3A_71 = vector.shape_cast %get3A_67 : vector<16xi32> to vector<16xi32>
    tpu.vector_store %arg12[%swap3A_68], %swap3A_71 {strides = array<i32>} : memref<80xi32, #tpu.memory_space<vmem>>, vector<16xi32>,
    %get3A_72 = arith.constant 32 : index
    %get3A_73 = tpu.vector_load %arg10[%get3A_72] {strides = array<i32>} : memref<80xi32, #tpu.memory_space<vmem>>, vector<16xi32>,
    %get3A_74 = vector.shape_cast %get3A_73 : vector<16xi32> to vector<16xi32>
    %swap3A_75 = arith.constant 32 : index
    %swap3A_76 = tpu.vector_load %arg12[%swap3A_75] {strides = array<i32>} : memref<80xi32, #tpu.memory_space<vmem>>, vector<16xi32>,
    %swap3A_77 = vector.shape_cast %swap3A_76 : vector<16xi32> to vector<16xi32>
    %swap3A_78 = vector.shape_cast %get3A_74 : vector<16xi32> to vector<16xi32>
    tpu.vector_store %arg12[%swap3A_75], %swap3A_78 {strides = array<i32>} : memref<80xi32, #tpu.memory_space<vmem>>, vector<16xi32>,
    %get3A_79 = arith.constant 48 : index
    %get3A_80 = tpu.vector_load %arg10[%get3A_79] {strides = array<i32>} : memref<80xi32, #tpu.memory_space<vmem>>, vector<16xi32>,
    %get3A_81 = vector.shape_cast %get3A_80 : vector<16xi32> to vector<16xi32>
    %swap3A_82 = arith.constant 48 : index
    %swap3A_83 = tpu.vector_load %arg12[%swap3A_82] {strides = array<i32>} : memref<80xi32, #tpu.memory_space<vmem>>, vector<16xi32>,
    %swap3A_84 = vector.shape_cast %swap3A_83 : vector<16xi32> to vector<16xi32>
    %swap3A_85 = vector.shape_cast %get3A_81 : vector<16xi32> to vector<16xi32>
    tpu.vector_store %arg12[%swap3A_82], %swap3A_85 {strides = array<i32>} : memref<80xi32, #tpu.memory_space<vmem>>, vector<16xi32>,
    %get3A_86 = arith.constant 64 : index
    %get3A_87 = tpu.vector_load %arg10[%get3A_86] {strides = array<i32>} : memref<80xi32, #tpu.memory_space<vmem>>, vector<16xi32>,
    %get3A_88 = vector.shape_cast %get3A_87 : vector<16xi32> to vector<16xi32>
    %swap3A_89 = arith.constant 64 : index
    %swap3A_90 = tpu.vector_load %arg12[%swap3A_89] {strides = array<i32>} : memref<80xi32, #tpu.memory_space<vmem>>, vector<16xi32>,
    %swap3A_91 = vector.shape_cast %swap3A_90 : vector<16xi32> to vector<16xi32>
    %swap3A_92 = vector.shape_cast %get3A_88 : vector<16xi32> to vector<16xi32>
    tpu.vector_store %arg12[%swap3A_89], %swap3A_92 {strides = array<i32>} : memref<80xi32, #tpu.memory_space<vmem>>, vector<16xi32>,
    %scan3A_93 = arith.constant 0 : i32
    %scan3A_94 = arith.constant 80 : i32
    %scan3A_95 = arith.addi %scan3A_93, %scan3A_94 : i32
    %scan3A_96 = arith.constant 1 : i32
    scf.for %scan3A_111 = %scan3A_93 to %scan3A_95 step %scan3A_96  : i32 {
      %mul3A_112 = arith.constant 1 : i32
      %mul3A_113 = arith.muli %scan3A_111, %mul3A_112 : i32
      %add3A_114 = arith.constant 0 : i32
      %add3A_115 = arith.addi %add3A_114, %mul3A_113 : i32
      %get3A_116 = arith.index_cast %add3A_115 : i32 to index
      %get3A_117 = arith.constant 0 : index
      %get3A_118 = tpu.vector_load %arg14[%get3A_116, %get3A_117] {strides = array<i32>} : memref<80x128xf32, #tpu.memory_space<vmem>>, vector<1x16xf32>,
      %get3A_119 = vector.shape_cast %get3A_118 : vector<1x16xf32> to vector<16xf32>
      %get3A_120 = arith.index_cast %add3A_115 : i32 to index
      %get3A_121 = arith.constant 0 : index
      %get3A_122 = tpu.vector_load %arg16[%get3A_120, %get3A_121] {strides = array<i32>} : memref<80x128xf32, #tpu.memory_space<vmem>>, vector<1x16xf32>,
      %get3A_123 = vector.shape_cast %get3A_122 : vector<1x16xf32> to vector<16xf32>
      %add3A_124 = arith.addf %get3A_119, %get3A_123 : vector<16xf32>
      %max3A = arith.constant 0.000000e+00 : f32
      %max3A_125 = vector.broadcast %max3A : f32 to vector<16xf32>
      %max3A_126 = arith.maximumf %add3A_124, %max3A_125 : vector<16xf32>
      %swap3A_127 = arith.index_cast %add3A_115 : i32 to index
      %swap3A_128 = arith.constant 0 : index
      %swap3A_129 = tpu.vector_load %arg14[%swap3A_127, %swap3A_128] {strides = array<i32>} : memref<80x128xf32, #tpu.memory_space<vmem>>, vector<1x16xf32>,
      %swap3A_130 = vector.shape_cast %swap3A_129 : vector<1x16xf32> to vector<16xf32>
      %swap3A_131 = vector.shape_cast %max3A_126 : vector<16xf32> to vector<1x16xf32>
      tpu.vector_store %arg14[%swap3A_127, %swap3A_128], %swap3A_131 {strides = array<i32>} : memref<80x128xf32, #tpu.memory_space<vmem>>, vector<1x16xf32>,
      %get3A_132 = arith.index_cast %add3A_115 : i32 to index
      %get3A_133 = arith.constant 16 : index
      %get3A_134 = tpu.vector_load %arg14[%get3A_132, %get3A_133] {strides = array<i32>} : memref<80x128xf32, #tpu.memory_space<vmem>>, vector<1x16xf32>,
      %get3A_135 = vector.shape_cast %get3A_134 : vector<1x16xf32> to vector<16xf32>
      %get3A_136 = arith.index_cast %add3A_115 : i32 to index
      %get3A_137 = arith.constant 16 : index
      %get3A_138 = tpu.vector_load %arg16[%get3A_136, %get3A_137] {strides = array<i32>} : memref<80x128xf32, #tpu.memory_space<vmem>>, vector<1x16xf32>,
      %get3A_139 = vector.shape_cast %get3A_138 : vector<1x16xf32> to vector<16xf32>
      %add3A_140 = arith.addf %get3A_135, %get3A_139 : vector<16xf32>
      %max3A_141 = arith.constant 0.000000e+00 : f32
      %max3A_142 = vector.broadcast %max3A_141 : f32 to vector<16xf32>
      %max3A_143 = arith.maximumf %add3A_140, %max3A_142 : vector<16xf32>
      %swap3A_144 = arith.index_cast %add3A_115 : i32 to index
      %swap3A_145 = arith.constant 16 : index
      %swap3A_146 = tpu.vector_load %arg14[%swap3A_144, %swap3A_145] {strides = array<i32>} : memref<80x128xf32, #tpu.memory_space<vmem>>, vector<1x16xf32>,
      %swap3A_147 = vector.shape_cast %swap3A_146 : vector<1x16xf32> to vector<16xf32>
      %swap3A_148 = vector.shape_cast %max3A_143 : vector<16xf32> to vector<1x16xf32>
      tpu.vector_store %arg14[%swap3A_144, %swap3A_145], %swap3A_148 {strides = array<i32>} : memref<80x128xf32, #tpu.memory_space<vmem>>, vector<1x16xf32>,
      %get3A_149 = arith.index_cast %add3A_115 : i32 to index
      %get3A_150 = arith.constant 32 : index
      %get3A_151 = tpu.vector_load %arg14[%get3A_149, %get3A_150] {strides = array<i32>} : memref<80x128xf32, #tpu.memory_space<vmem>>, vector<1x16xf32>,
      %get3A_152 = vector.shape_cast %get3A_151 : vector<1x16xf32> to vector<16xf32>
      %get3A_153 = arith.index_cast %add3A_115 : i32 to index
      %get3A_154 = arith.constant 32 : index
      %get3A_155 = tpu.vector_load %arg16[%get3A_153, %get3A_154] {strides = array<i32>} : memref<80x128xf32, #tpu.memory_space<vmem>>, vector<1x16xf32>,
      %get3A_156 = vector.shape_cast %get3A_155 : vector<1x16xf32> to vector<16xf32>
      %add3A_157 = arith.addf %get3A_152, %get3A_156 : vector<16xf32>
      %max3A_158 = arith.constant 0.000000e+00 : f32
      %max3A_159 = vector.broadcast %max3A_158 : f32 to vector<16xf32>
      %max3A_160 = arith.maximumf %add3A_157, %max3A_159 : vector<16xf32>
      %swap3A_161 = arith.index_cast %add3A_115 : i32 to index
      %swap3A_162 = arith.constant 32 : index
      %swap3A_163 = tpu.vector_load %arg14[%swap3A_161, %swap3A_162] {strides = array<i32>} : memref<80x128xf32, #tpu.memory_space<vmem>>, vector<1x16xf32>,
      %swap3A_164 = vector.shape_cast %swap3A_163 : vector<1x16xf32> to vector<16xf32>
      %swap3A_165 = vector.shape_cast %max3A_160 : vector<16xf32> to vector<1x16xf32>
      tpu.vector_store %arg14[%swap3A_161, %swap3A_162], %swap3A_165 {strides = array<i32>} : memref<80x128xf32, #tpu.memory_space<vmem>>, vector<1x16xf32>,
      %get3A_166 = arith.index_cast %add3A_115 : i32 to index
      %get3A_167 = arith.constant 48 : index
      %get3A_168 = tpu.vector_load %arg14[%get3A_166, %get3A_167] {strides = array<i32>} : memref<80x128xf32, #tpu.memory_space<vmem>>, vector<1x16xf32>,
      %get3A_169 = vector.shape_cast %get3A_168 : vector<1x16xf32> to vector<16xf32>
      %get3A_170 = arith.index_cast %add3A_115 : i32 to index
      %get3A_171 = arith.constant 48 : index
      %get3A_172 = tpu.vector_load %arg16[%get3A_170, %get3A_171] {strides = array<i32>} : memref<80x128xf32, #tpu.memory_space<vmem>>, vector<1x16xf32>,
      %get3A_173 = vector.shape_cast %get3A_172 : vector<1x16xf32> to vector<16xf32>
      %add3A_174 = arith.addf %get3A_169, %get3A_173 : vector<16xf32>
      %max3A_175 = arith.constant 0.000000e+00 : f32
      %max3A_176 = vector.broadcast %max3A_175 : f32 to vector<16xf32>
      %max3A_177 = arith.maximumf %add3A_174, %max3A_176 : vector<16xf32>
      %swap3A_178 = arith.index_cast %add3A_115 : i32 to index
      %swap3A_179 = arith.constant 48 : index
      %swap3A_180 = tpu.vector_load %arg14[%swap3A_178, %swap3A_179] {strides = array<i32>} : memref<80x128xf32, #tpu.memory_space<vmem>>, vector<1x16xf32>,
      %swap3A_181 = vector.shape_cast %swap3A_180 : vector<1x16xf32> to vector<16xf32>
      %swap3A_182 = vector.shape_cast %max3A_177 : vector<16xf32> to vector<1x16xf32>
      tpu.vector_store %arg14[%swap3A_178, %swap3A_179], %swap3A_182 {strides = array<i32>} : memref<80x128xf32, #tpu.memory_space<vmem>>, vector<1x16xf32>,
      %get3A_183 = arith.index_cast %add3A_115 : i32 to index
      %get3A_184 = arith.constant 64 : index
      %get3A_185 = tpu.vector_load %arg14[%get3A_183, %get3A_184] {strides = array<i32>} : memref<80x128xf32, #tpu.memory_space<vmem>>, vector<1x16xf32>,
      %get3A_186 = vector.shape_cast %get3A_185 : vector<1x16xf32> to vector<16xf32>
      %get3A_187 = arith.index_cast %add3A_115 : i32 to index
      %get3A_188 = arith.constant 64 : index
      %get3A_189 = tpu.vector_load %arg16[%get3A_187, %get3A_188] {strides = array<i32>} : memref<80x128xf32, #tpu.memory_space<vmem>>, vector<1x16xf32>,
      %get3A_190 = vector.shape_cast %get3A_189 : vector<1x16xf32> to vector<16xf32>
      %add3A_191 = arith.addf %get3A_186, %get3A_190 : vector<16xf32>
      %max3A_192 = arith.constant 0.000000e+00 : f32
      %max3A_193 = vector.broadcast %max3A_192 : f32 to vector<16xf32>
      %max3A_194 = arith.maximumf %add3A_191, %max3A_193 : vector<16xf32>
      %swap3A_195 = arith.index_cast %add3A_115 : i32 to index
      %swap3A_196 = arith.constant 64 : index
      %swap3A_197 = tpu.vector_load %arg14[%swap3A_195, %swap3A_196] {strides = array<i32>} : memref<80x128xf32, #tpu.memory_space<vmem>>, vector<1x16xf32>,
      %swap3A_198 = vector.shape_cast %swap3A_197 : vector<1x16xf32> to vector<16xf32>
      %swap3A_199 = vector.shape_cast %max3A_194 : vector<16xf32> to vector<1x16xf32>
      tpu.vector_store %arg14[%swap3A_195, %swap3A_196], %swap3A_199 {strides = array<i32>} : memref<80x128xf32, #tpu.memory_space<vmem>>, vector<1x16xf32>,
      %get3A_200 = arith.index_cast %add3A_115 : i32 to index
      %get3A_201 = arith.constant 80 : index
      %get3A_202 = tpu.vector_load %arg14[%get3A_200, %get3A_201] {strides = array<i32>} : memref<80x128xf32, #tpu.memory_space<vmem>>, vector<1x16xf32>,
      %get3A_203 = vector.shape_cast %get3A_202 : vector<1x16xf32> to vector<16xf32>
      %get3A_204 = arith.index_cast %add3A_115 : i32 to index
      %get3A_205 = arith.constant 80 : index
      %get3A_206 = tpu.vector_load %arg16[%get3A_204, %get3A_205] {strides = array<i32>} : memref<80x128xf32, #tpu.memory_space<vmem>>, vector<1x16xf32>,
      %get3A_207 = vector.shape_cast %get3A_206 : vector<1x16xf32> to vector<16xf32>
      %add3A_208 = arith.addf %get3A_203, %get3A_207 : vector<16xf32>
      %max3A_209 = arith.constant 0.000000e+00 : f32
      %max3A_210 = vector.broadcast %max3A_209 : f32 to vector<16xf32>
      %max3A_211 = arith.maximumf %add3A_208, %max3A_210 : vector<16xf32>
      %swap3A_212 = arith.index_cast %add3A_115 : i32 to index
      %swap3A_213 = arith.constant 80 : index
      %swap3A_214 = tpu.vector_load %arg14[%swap3A_212, %swap3A_213] {strides = array<i32>} : memref<80x128xf32, #tpu.memory_space<vmem>>, vector<1x16xf32>,
      %swap3A_215 = vector.shape_cast %swap3A_214 : vector<1x16xf32> to vector<16xf32>
      %swap3A_216 = vector.shape_cast %max3A_211 : vector<16xf32> to vector<1x16xf32>
      tpu.vector_store %arg14[%swap3A_212, %swap3A_213], %swap3A_216 {strides = array<i32>} : memref<80x128xf32, #tpu.memory_space<vmem>>, vector<1x16xf32>,
      %get3A_217 = arith.index_cast %add3A_115 : i32 to index
      %get3A_218 = arith.constant 96 : index
      %get3A_219 = tpu.vector_load %arg14[%get3A_217, %get3A_218] {strides = array<i32>} : memref<80x128xf32, #tpu.memory_space<vmem>>, vector<1x16xf32>,
      %get3A_220 = vector.shape_cast %get3A_219 : vector<1x16xf32> to vector<16xf32>
      %get3A_221 = arith.index_cast %add3A_115 : i32 to index
      %get3A_222 = arith.constant 96 : index
      %get3A_223 = tpu.vector_load %arg16[%get3A_221, %get3A_222] {strides = array<i32>} : memref<80x128xf32, #tpu.memory_space<vmem>>, vector<1x16xf32>,
      %get3A_224 = vector.shape_cast %get3A_223 : vector<1x16xf32> to vector<16xf32>
      %add3A_225 = arith.addf %get3A_220, %get3A_224 : vector<16xf32>
      %max3A_226 = arith.constant 0.000000e+00 : f32
      %max3A_227 = vector.broadcast %max3A_226 : f32 to vector<16xf32>
      %max3A_228 = arith.maximumf %add3A_225, %max3A_227 : vector<16xf32>
      %swap3A_229 = arith.index_cast %add3A_115 : i32 to index
      %swap3A_230 = arith.constant 96 : index
      %swap3A_231 = tpu.vector_load %arg14[%swap3A_229, %swap3A_230] {strides = array<i32>} : memref<80x128xf32, #tpu.memory_space<vmem>>, vector<1x16xf32>,
      %swap3A_232 = vector.shape_cast %swap3A_231 : vector<1x16xf32> to vector<16xf32>
      %swap3A_233 = vector.shape_cast %max3A_228 : vector<16xf32> to vector<1x16xf32>
      tpu.vector_store %arg14[%swap3A_229, %swap3A_230], %swap3A_233 {strides = array<i32>} : memref<80x128xf32, #tpu.memory_space<vmem>>, vector<1x16xf32>,
      %get3A_234 = arith.index_cast %add3A_115 : i32 to index
      %get3A_235 = arith.constant 112 : index
      %get3A_236 = tpu.vector_load %arg14[%get3A_234, %get3A_235] {strides = array<i32>} : memref<80x128xf32, #tpu.memory_space<vmem>>, vector<1x16xf32>,
      %get3A_237 = vector.shape_cast %get3A_236 : vector<1x16xf32> to vector<16xf32>
      %get3A_238 = arith.index_cast %add3A_115 : i32 to index
      %get3A_239 = arith.constant 112 : index
      %get3A_240 = tpu.vector_load %arg16[%get3A_238, %get3A_239] {strides = array<i32>} : memref<80x128xf32, #tpu.memory_space<vmem>>, vector<1x16xf32>,
      %get3A_241 = vector.shape_cast %get3A_240 : vector<1x16xf32> to vector<16xf32>
      %add3A_242 = arith.addf %get3A_237, %get3A_241 : vector<16xf32>
      %max3A_243 = arith.constant 0.000000e+00 : f32
      %max3A_244 = vector.broadcast %max3A_243 : f32 to vector<16xf32>
      %max3A_245 = arith.maximumf %add3A_242, %max3A_244 : vector<16xf32>
      %swap3A_246 = arith.index_cast %add3A_115 : i32 to index
      %swap3A_247 = arith.constant 112 : index
      %swap3A_248 = tpu.vector_load %arg14[%swap3A_246, %swap3A_247] {strides = array<i32>} : memref<80x128xf32, #tpu.memory_space<vmem>>, vector<1x16xf32>,
      %swap3A_249 = vector.shape_cast %swap3A_248 : vector<1x16xf32> to vector<16xf32>
      %swap3A_250 = vector.shape_cast %max3A_245 : vector<16xf32> to vector<1x16xf32>
      tpu.vector_store %arg14[%swap3A_246, %swap3A_247], %swap3A_250 {strides = array<i32>} : memref<80x128xf32, #tpu.memory_space<vmem>>, vector<1x16xf32>,
    }
    %scan3A_97 = arith.constant 80 : i32
    %dma_start3A_98 = arith.constant 0 : i32
    %dma_start3A_99 = arith.constant 0 : i32
    %dma_start3A_100 = tpu.memref_slice %arg18[%dma_start3A_98, %dma_start3A_99] : memref<10240x128xf32, #tpu.memory_space<vmem_shared>> -> memref<10240x128xf32, #tpu.memory_space<vmem_shared>>
    tpu.enqueue_indirect_dma source(%arg14 : memref<80x128xf32, #tpu.memory_space<vmem>>) target(%dma_start3A_100 : memref<10240x128xf32, #tpu.memory_space<vmem_shared>>) offsets(%arg12 : memref<80xi32, #tpu.memory_space<vmem>>) semaphore(%arg25 : memref<!tpu.dma_semaphore, #tpu.memory_space<semaphore_mem>>) {add = true}
    %dma_wait3A_101 = arith.constant 0 : i32
    %dma_wait3A_102 = arith.constant 0 : i32
    %dma_wait3A_103 = tpu.memref_slice %arg6[%dma_wait3A_101, %dma_wait3A_102] : memref<640x128xf32, #tpu.memory_space<hbm>> -> memref<80x128xf32, #tpu.memory_space<hbm>>
    %dma_wait3A_104 = arith.constant 0 : i32
    %dma_wait3A_105 = arith.constant 0 : i32
    %dma_wait3A_106 = tpu.memref_slice %arg6[%dma_wait3A_104, %dma_wait3A_105] : memref<640x128xf32, #tpu.memory_space<hbm>> -> memref<80x128xf32, #tpu.memory_space<hbm>>
    tpu.wait_dma2 semaphore(%arg25 : memref<!tpu.dma_semaphore, #tpu.memory_space<semaphore_mem>>) src(%dma_wait3A_106 : memref<80x128xf32, #tpu.memory_space<hbm>>) dst(%arg14 : memref<80x128xf32, #tpu.memory_space<vmem>>)
    %barrier3A_107 = arith.constant 0 : index
    tpu.barrier barrier_id(%barrier3A_107)
    %mul3A_108 = arith.constant 10240 : i32
    %mul3A_109 = arith.muli %arg0, %mul3A_108 : i32
    %add3A_110 = arith.addi %mul3A_109, %multiple_of3A_5 : i32
    "tpu.region"() ({
      %run_scoped3A = tpu.sem_alloc : memref<!tpu.dma_semaphore, #tpu.memory_space<semaphore_mem>>
      %dma_start3A_111 = arith.constant 0 : i32
      %dma_start3A_112 = tpu.memref_slice %arg7[%add3A_110, %dma_start3A_111] : memref<20480x128xf32, #tpu.memory_space<hbm>> -> memref<640x128xf32, #tpu.memory_space<hbm>>
      %dma_start3A_113 = arith.constant 0 : i32
      %dma_start3A_114 = tpu.memref_slice %arg18[%multiple_of3A_5, %dma_start3A_113] : memref<10240x128xf32, #tpu.memory_space<vmem_shared>> -> memref<640x128xf32, #tpu.memory_space<vmem_shared>>
      tpu.enqueue_dma source(%dma_start3A_114 : memref<640x128xf32, #tpu.memory_space<vmem_shared>>) target(%dma_start3A_112 : memref<640x128xf32, #tpu.memory_space<hbm>>) target_semaphore(%run_scoped3A : memref<!tpu.dma_semaphore, #tpu.memory_space<semaphore_mem>>)
      %dma_wait3A_115 = arith.constant 0 : i32
      %dma_wait3A_116 = tpu.memref_slice %arg7[%add3A_110, %dma_wait3A_115] : memref<20480x128xf32, #tpu.memory_space<hbm>> -> memref<640x128xf32, #tpu.memory_space<hbm>>
      %dma_wait3A_117 = arith.constant 0 : i32
      %dma_wait3A_118 = tpu.memref_slice %arg18[%multiple_of3A_5, %dma_wait3A_117] : memref<10240x128xf32, #tpu.memory_space<vmem_shared>> -> memref<640x128xf32, #tpu.memory_space<vmem_shared>>
      tpu.wait_dma2 semaphore(%run_scoped3A : memref<!tpu.dma_semaphore, #tpu.memory_space<semaphore_mem>>) src(%dma_wait3A_118 : memref<640x128xf32, #tpu.memory_space<vmem_shared>>) dst(%dma_wait3A_116 : memref<640x128xf32, #tpu.memory_space<hbm>>)
      tpu.yield
    }) : () -> ()
    return
  }
}

</mosaic_0001>

<sc_bundles>
// kernel: _sc_aggregate.3.cloned.1.call-start
scs
__scs_entry_jumppad:
0x0: {  	(pc) =	sbr.rel $0x88, $3  }
0x1: {  	(tag) =	ssettag $0x0;
	lr =	simm.s32 $0x1  }
0x2: {  	[smem:$0x3F9C] =	sst lr;
	_ =	strace $0xD0000000  }
0x3: {  	_ = 	snop  }
0x4: {  	_ = 	snop  }
0x5: {  	_ = 	snop  }
0x6: {  	_ = 	snop  }
0x7: {  	_ = 	snop  }
__scs_overlays_trampoline_lowered:
0x8: {  	[smem:$0x3FAB] =	sst s0  }
0x9: {  	[smem:$0x3FAC] =	sst s1  }
0xa: {  	[smem:$0x3FAD] =	sst s2  }
0xb: {  	[smem:$0x3FAE] =	sst s3  }
0xc: {  	[smem:$0x3FAF] =	sst s4  }
0xd: {  	[smem:$0x3FB0] =	sst s5  }
0xe: {  	[smem:$0x3FB1] =	sst s6  }
0xf: {  	[smem:$0x3FB2] =	sst s7  }
0x10: {  	[smem:$0x3FB3] =	sst s8  }
0x11: {  	[smem:$0x3FB4] =	sst s9;
	s0 =	simm.s32 @!p0 $0x0  }
0x12: {  	s1 =	sld [smem:$0x3F9A];
	s0 =	simm.s32 @p0 $0x1  }
0x13: {  	[smem:$0x3FB5] =	sst s0;
	s0 =	simm.s32 @!p1 $0x0  }
0x14: {  	s2 =	sld [smem:$0x3F99];
	s0 =	simm.s32 @p1 $0x1  }
0x15: {  	[smem:$0x3FB6] =	sst s0;
	s0 =	simm.s32 @!p2 $0x0  }
0x16: {  	s3 =	sld [smem:$0x3FDB];
	s0 =	simm.s32 @p2 $0x1  }
0x17: {  	s4 =	simm.s32 $0x1BF5;
	[smem:$0x3FB8] =	sst s0  }
0x18: {  	s0 =	sld [smem:$0x3F9B];
	_ =	swait.ge [sflag:s4], $0x0  }
0x19: {  	s7 =	sld [smem:$0x3F9C]  }
0x1a: {  	s8 =	sadd.s32 $0xFFFFE003, lr  }
0x1b: {  	s9 =	sadd.s32 $0xFFFFFEF7, lr;
	s5 =	simm.s32 $0xFFFFFFFF;
	p2 =	slt.u32 s8, $0xFFFFF086  }
0x1c: {  	p1 =	slt.u32 s9, $0xF7A;
	s5 =	simm.s32 @!p2 $0x0  }
0x1d: {  	s5 =	simm.s32 @p1 $0x1;
	p0 =	seq.s32 s7, s2  }
0x1e: {  	s7 =	smul.u32 @!p0 $0xF7A, s2;
	p2 =	seq.s32 @!p0 s5, $0x0  }
0x1f: {  	s9 =	smul.u32 $0xF7A, s1;
	s8 =	simm.s32 @!p0 $0x1BF5;
	p2 =	por !p2, p0  }
0x20: {  	[sflag:s8] =	ssyncset.s32 @!p0 $0xFFFFF086;
	s6 =	sadd.s32 @!p0 s3, s7;
	s7 =	simm.s32 @!p0 $0x108  }
0x21: {  	s3 =	sadd.s32 s3, s9;
	s6 =	sadd.s32 @!p0 $0x88, s6;
	s7 =	simm.s32 @p2 $0x1082  }
0x22: {  	[simem:s7], [sflag:s8] =	dma.local @!p0 [hbm:s6], $0xF7A  }
0x23: {  	s9 =	sor.u32 $0xD0000000, s2;
	s6 =	simm.s32 $0x108;
	_ =	swait.ge @!p0 [sflag:s8], $0x0  }
0x24: {  	s3 =	sadd.s32 $0x88, s3;
	s6 =	simm.s32 @!p1 $0x1082;
	[sflag:s4] =	ssyncset.s32 $0xFFFFF086  }
0x25: {  	[simem:s6], [sflag:s4] =	dma.local [hbm:s3], $0xF7A  }
0x26: {  	[smem:$0x3F9C] =	sst s1;
	(tag) =	ssettag s2;
	_ =	strace s9  }
0x27: {  	s1 =	sld [smem:$0x3FAC]  }
0x28: {  	s2 =	sld [smem:$0x3FAD]  }
0x29: {  	s4 =	sld [smem:$0x3FAF]  }
0x2a: {  	p0 =	seq.s32 s5, $0x0;
	s5 =	sld [smem:$0x3FB0]  }
0x2b: {  	s6 =	sld [smem:$0x3FB1]  }
0x2c: {  	s7 =	sld [smem:$0x3FB2]  }
0x2d: {  	s3 =	simm.s32 $0x108;
	s8 =	sld [smem:$0x3FB3]  }
0x2e: {  	s3 =	simm.s32 @!p0 $0x1082;
	s9 =	sld [smem:$0x3FB4]  }
0x2f: {  	lr =	sadd.s32 s0, s3;
	s0 =	sld [smem:$0x3FAB]  }
0x30: {  	s3 =	sld [smem:$0x3FAE]  }
0x31: {  	[smem:$0x3FB7] =	sst s10  }
0x32: {  	s10 =	sld [smem:$0x3FB5];
	_ =	sdelay $0x3  }
0x33: {  	p0 =	seq.s32 s10, $0x1;
	s10 =	sld [smem:$0x3FB7];
	_ =	sdelay $0x3  }
0x34: {  	[smem:$0x3FB7] =	sst s10  }
0x35: {  	s10 =	sld [smem:$0x3FB6];
	_ =	sdelay $0x3  }
0x36: {  	p1 =	seq.s32 s10, $0x1;
	s10 =	sld [smem:$0x3FB7];
	_ =	sdelay $0x3  }
0x37: {  	[smem:$0x3FB7] =	sst s10  }
0x38: {  	s10 =	sld [smem:$0x3FB8]  }
0x39: {  	_ = 	snop;
	(pc) =	sbr.ind lr, $3  }
0x3a: {  	_ = 	snop  }
0x3b: {  	_ = 	snop  }
0x3c: {  	p2 =	seq.s32 s10, $0x1;
	s10 =	sld [smem:$0x3FB7]  }
0x3d: {  	_ =	shalt  }
0x3e: {  	_ =	shalt  }
0x3f: {  	_ =	shalt  }
0x40: {  	_ =	shalt  }
0x41: {  	_ =	shalt  }
0x42: {  	_ =	shalt  }
0x43: {  	_ =	shalt  }
0x44: {  	_ =	shalt  }
0x45: {  	_ =	shalt  }
0x46: {  	_ =	shalt  }
0x47: {  	_ =	shalt  }
0x48: {  	_ =	shalt  }
0x49: {  	_ =	shalt  }
0x4a: {  	_ =	shalt  }
0x4b: {  	_ =	shalt  }
0x4c: {  	_ =	shalt  }
0x4d: {  	_ =	shalt  }
0x4e: {  	_ =	shalt  }
0x4f: {  	_ =	shalt  }
0x50: {  	_ =	shalt  }
0x51: {  	_ =	shalt  }
0x52: {  	_ =	shalt  }
0x53: {  	_ =	shalt  }
0x54: {  	_ =	shalt  }
0x55: {  	_ =	shalt  }
0x56: {  	_ =	shalt  }
0x57: {  	_ =	shalt  }
0x58: {  	_ =	shalt  }
0x59: {  	_ =	shalt  }
0x5a: {  	_ =	shalt  }
0x5b: {  	_ =	shalt  }
0x5c: {  	_ =	shalt  }
0x5d: {  	_ =	shalt  }
0x5e: {  	_ =	shalt  }
0x5f: {  	_ =	shalt  }
0x60: {  	_ =	shalt  }
0x61: {  	_ =	shalt  }
0x62: {  	_ =	shalt  }
0x63: {  	_ =	shalt  }
0x64: {  	_ =	shalt  }
0x65: {  	_ =	shalt  }
0x66: {  	_ =	shalt  }
0x67: {  	_ =	shalt  }
0x68: {  	_ =	shalt  }
0x69: {  	_ =	shalt  }
0x6a: {  	_ =	shalt  }
0x6b: {  	_ =	shalt  }
0x6c: {  	_ =	shalt  }
0x6d: {  	_ =	shalt  }
0x6e: {  	_ =	shalt  }
0x6f: {  	_ =	shalt  }
0x70: {  	_ =	shalt  }
0x71: {  	_ =	shalt  }
0x72: {  	_ =	shalt  }
0x73: {  	_ =	shalt  }
0x74: {  	_ =	shalt  }
0x75: {  	_ =	shalt  }
0x76: {  	_ =	shalt  }
0x77: {  	_ =	shalt  }
0x78: {  	_ =	shalt  }
0x79: {  	_ =	shalt  }
0x7a: {  	_ =	shalt  }
0x7b: {  	_ =	shalt  }
0x7c: {  	_ =	shalt  }
0x7d: {  	_ =	shalt  }
0x7e: {  	_ =	shalt  }
0x7f: {  	_ =	shalt  }
0x80: {  	_ =	shalt  }
0x81: {  	_ =	shalt  }
0x82: {  	_ =	shalt  }
0x83: {  	_ =	shalt  }
0x84: {  	_ =	shalt  }
0x85: {  	_ =	shalt  }
0x86: {  	_ =	shalt  }
0x87: {  	_ =	shalt  }
.Lfunc_end0:
.L_simem_size_0:
called_computation_lowered:
.L_overlay_start_0:
0x88: {  	s2 =	sld [smem:$0x3FD9]  }
0x89: {  	s3 =	sld [smem:$0x3FFE];
	_ =	sdelay $0x1  }
0x8a: {  	s1 =	srdreg.scid  }
0x8b: {  	s0 =	sand.u32 $0x1, s1  }
0x8c: {  	s18 =	sshll.u32 s0, $0xA;
	s2 =	sadd.s32 s3, s2  }
0x8d: {  	s2 =	sadd.s32 s2, s18  }
0x8e: {  	[smem:$0x3FC3] =	sst s2  }
0x8f: {  	_ = 	snop  }
0x90: {  	s2 =	sld [smem:$0x3FC9]  }
0x91: {  	s19 =	sld [smem:$0x3FC8]  }
0x92: {  	s4 =	sld [smem:$0x3FC7]  }
0x93: {  	s5 =	sld [smem:$0x3FC6]  }
0x94: {  	s6 =	sld [smem:$0x3FC5]  }
0x95: {  	s7 =	sld [smem:$0x3FD0];
	(tm) =	ssettm $0x1  }
0x96: {  	s8 =	sld [smem:$0x3FFB];
	_ =	sdelay $0x3  }
0x97: {  	_ =	strace s8  }
0x98: {  	s8 =	sld [smem:$0x3FFC];
	_ =	sdelay $0x3  }
0x99: {  	_ =	strace s8  }
0x9a: {  	s8 =	sld [smem:$0x3FFD];
	_ =	sdelay $0x3  }
0x9b: {  	_ =	strace s8  }
0x9c: {  	_ =	strace $0x8FFFFFFF  }
0x9d: {  	s20 =	sld [smem:$0x3FDB];
	_ =	sdelay $0x1  }
0x9e: {  	s9 =	simm.s32 $_scs_section_size  }
0x9f: {  	s10 =	simm.s32 $_size__tile_overlayer_lowered;
	s11 =	simm.s32 $_tile_overlayer_lowered  }
0xa0: {  	s23 =	simm.s32 $0x1BFF;
	s22 =	sshll.u32 s11, $0x1;
	s8 =	sadd.s32 s9, s20  }
0xa1: {  	s12 =	simm.s32 $0x0;
	s21 =	sshll.u32 s10, $0x1;
	s10 =	sadd.s32 s22, s8  }
0xa2: {  	[timem:s12], [sflag:s23] =	dma.local [hbm:s10], s21  }
0xa3: {  	_ =	swait.ge [sflag:s23], s21  }
0xa4: {  	s9 =	ssub.s32 $0x0, s21;
	[sflag:s23] =	ssyncset.done $0x0  }
0xa5: {  	[sflag:s23] =	ssyncadd.s32 s9;
	_ =	sdelay $0x1  }
0xa6: {  	s24 =	simm.s32 $0x1B8B  }
0xa7: {  	_ =	swait.ge [sflag:s24], $0x1  }
0xa8: {  	[sflag:s24] =	ssyncset.done $0x0  }
0xa9: {  	s25 =	simm.s32 $0x1B8E;
	[sflag:s24] =	ssyncadd.s32 $0xFFFFFFFF  }
0xaa: {  	s26 =	simm.s32 $execute0_lowered;
	[smem:$0x3FD2] =	sst s25  }
0xab: {  	s9 =	sshll.u32 s26, $0x1;
	_ =	strace $0x80000046;
	[dreg:$0x1] =	wrdreg $0xFFFFFFFF  }
0xac: {  	s28 =	simm.s32 $_size_execute0_lowered;
	s8 =	sadd.s32 s8, s9;
	[dreg:$0x0] =	wrdreg $0x0  }
0xad: {  	s9 =	sshll.u32 s28, $0x1;
	[dreg:$0x2] =	wrdreg s8  }
0xae: {  	[dreg:$0x3] =	wrdreg s9  }
0xaf: {  	[dreg:$0x4] =	wrdreg $0xC0  }
0xb0: {  	_ =	task [dreg:s12], $0x5FFFF  }
0xb1: {  	[dreg:$0x1] =	wrdreg $0xFFFFFFFF  }
0xb2: {  	[dreg:$0x0] =	wrdreg $0x60  }
0xb3: {  	[dreg:$0x2] =	wrdreg s2  }
0xb4: {  	[dreg:$0x3] =	wrdreg s19  }
0xb5: {  	[dreg:$0x4] =	wrdreg s4  }
0xb6: {  	[dreg:$0x5] =	wrdreg s5  }
0xb7: {  	[dreg:$0x6] =	wrdreg s6  }
0xb8: {  	[dreg:$0x7] =	wrdreg s7  }
0xb9: {  	[dreg:$0x8] =	wrdreg $0xA3000  }
0xba: {  	[dreg:$0x9] =	wrdreg $0x9  }
0xbb: {  	_ =	task.clear_ibuf [dreg:s12], $0xAFFFF;
	_ =	strace $0x90000046  }
0xbc: {  	s29 =	simm.s32 $0x9;
	_ =	strace $0x80000048  }
0xbd: {  	_ =	swait.ge [sflag:s29], $0x1  }
0xbe: {  	[sflag:s29] =	ssyncadd.s32 $0xFFFFFFFF  }
0xbf: {  	_ =	strace $0x90000048  }
0xc0: {  	_ =	sfence  }
0xc1: {  	s30 =	sld [smem:$0x0];
	_ =	sdelay $0x2  }
0xc2: {  	s31 =	sshll.u32 s1, $0xD;
	s1 =	sshrl.u32 s1, $0x2  }
0xc3: {  	s3 =	sand.u32 $0x4000, s31;
	s1 =	sadd.s32 s1, s30  }
0xc4: {  	s0 =	sor.u32 s3, s0;
	s1 =	sshll.u32 s1, $0x11  }
0xc5: {  	s0 =	sor.u32 s1, s0  }
0xc6: {  	s0 =	sadd.s32 $0x8F2B, s0  }
0xc7: {  	[sflag:s0] =	ssyncadd.remote.s32 $0x1  }
0xc8: {  	_ =	sfence.sel $0xFFFF  }
0xc9: {  	[dreg:$0x0] =	wrdreg $0xFFFFFFFF;
	(pc) =	sbr.abs _section_cstart, $3  }
0xca: {  	[dreg:$0x1] =	wrdreg $0xFFFFFFFF  }
0xcb: {  	_ =	task.clear_ibuf [dreg:s12], $0x2FFFF;
	_ =	strace $0x9FFFFFFF  }
0xcc: {  	(tm) =	ssettm $0x7FFFFFFF  }
0xcd: {  	_ =	shalt  }
tec
execute0_lowered:
.L_overlay_start_1:
0x0: {  	(tag) =	ssettag $0x1  }
0x1: {  	s0 =	rddreg [dreg:$0x0]  }
0x2: {  	s1 =	rddreg [dreg:$0x1]  }
0x3: {  	s3 =	rddreg [dreg:$0x2]  }
0x4: {  	s4 =	rddreg [dreg:$0x3]  }
0x5: {  	s2 =	rddreg [dreg:$0x5]  }
0x6: {  	s6 =	rddreg [dreg:$0x6];
	s5 =	srdreg.scid  }
0x7: {  	s8 =	simm.s32 $0x0;
	s13 =	stileid.u32;
	s28 =	simm.s32 $0x50  }
0x8: {  	s29 =	simm.s32 $0x5300;
	s30 =	simm.s32 $0x3;
	s31 =	simm.s32 $0x5  }
0x9: {  	s5 =	sand.u32 $0x1, s5;
	[smem:$0x7FF] =	sst s8;
	s11 =	smul.u32 $0x50000, s13  }
0xa: {  	s21 =	sshll.u32 s13, $0x6;
	s7 =	ssub.s32 $0x2, s5;
	s10 =	sshll.u32 s5, $0x4  }
0xb: {  	_ =	strace $0x80000047;
	s18 =	sor.u32 $0x1C09, s21;
	s5 =	smul.u32 $0x28000, s5  }
0xc: {  	s9 =	sshrl.u32 s7, $0x1;
	s19 =	sor.u32 s13, s10;
	s13 =	smul.u32 $0x2800, s13  }
0xd: {  	s20 =	sshrl.u32 s11, $0x2;
	[dreg:$0x8] =	wrdreg s18;
	s12 =	smul.u32 $0x2710, s19  }
0xe: {  	s7 =	ssub.s32 s7, s9;
	s14 =	sadd.s32 s20, s6;
	s9 =	smul.u32 $0x27100, s19  }
0xf: {  	s19 =	simm.s32 $0x9;
	s20 =	simm.s32 $0x0;
	s5 =	sadd.s32 s13, s5  }
0x10: {  	s26 =	smax.u32 s7, $0x1;
	s7 =	simm.s32 $0x2B00;
	s13 =	simm.s32 $0x7  }
0x11: {  	s22 =	sshrl.u32 s12, $0x3;
	s10 =	sadd.s32 $0x50, s12;
	s9 =	sadd.s32 s1, s9  }
0x12: {  	s16 =	sadd.s32 $0xA0, s12;
	s17 =	sadd.s32 $0xF0, s12;
	s2 =	sadd.s32 s2, s5  }
0x13: {  	[dreg:$0xf] =	wrdreg s26;
	s26 =	simm.s32 $0x300;
	s5 =	simm.s32 $0x7B00  }
0x14: {  	s12 =	simm.s32 $0x6;
	s15 =	sadd.s32 s3, s22;
	[dreg:$0xd] =	wrdreg s9  }
0x15: {  	s23 =	sshrl.u32 s10, $0x3;
	s11 =	sadd.s32 s4, s22;
	[dreg:$0xe] =	wrdreg s2  }
0x16: {  	s22 =	simm.s32 $0x100;
	s2 =	simm.s32 $0x2;
	[dreg:$0x9] =	wrdreg s15  }
0x17: {  	[dreg:$0xa] =	wrdreg s11;
	s24 =	sadd.s32 s3, s23;
	s25 =	sadd.s32 s4, s23  }
0x18: {  	s15 =	sshrl.u32 s14, $0x3;
	s23 =	simm.s32 $0x80;
	[dreg:$0xb] =	wrdreg s24  }
0x19: {  	s11 =	simm.s32 $0x4;
	s14 =	simm.s32 $0x280;
	[dreg:$0xc] =	wrdreg s25  }
0x1a: {  	s25 =	simm.s32 $0x1;
	s24 =	simm.s32 $0x200;
	[dreg:$0x10] =	wrdreg s15  }
.LBB2_1:
0x1b: {  	[dreg:$0x11] =	wrdreg s20  }
0x1c: {  	s9 =	rddreg [dreg:$0x4]  }
0x1d: {  	[spmem:s15], [sflag:s18] =	dma.local [hbm:s9], $0x2800  }
0x1e: {  	_ =	swait.ge [sflag:s19], $0x2800  }
0x1f: {  	[sflag:s19] =	ssyncset.done $0x0  }
0x20: {  	[sflag:s19] =	ssyncadd.s32 $0xFFFFD800  }
0x21: {  	[bflag:$0x0] =	sbarrier.arrive $0xFFFF  }
0x22: {  	s21 =	rddreg [dreg:$0x9]  }
0x23: {  	[tilespmem:s8], [sflag:$0x1] =	stream.linear.gather [hbm4b:s21+s8], $0x50, $0x38;
	[tilespmem:$0x1E300] =	vst v63  }
0x24: {  	s15 =	rddreg [dreg:$0xa]  }
0x25: {  	[tilespmem:s22], [sflag:$0x1] =	stream.linear.gather [hbm4b:s15+s8], $0x50, $0x38;
	[tilespmem:$0x1E300] =	vst v63  }
0x26: {  	s18 =	rddreg [dreg:$0xb]  }
0x27: {  	[tilespmem:s23], [sflag:$0x2] =	stream.linear.gather [hbm4b:s18+s8], $0x50, $0x38;
	[tilespmem:$0x1E300] =	vst v63  }
0x28: {  	s20 =	simm.s32 $0x180;
	s19 =	rddreg [dreg:$0xc]  }
0x29: {  	[tilespmem:s20], [sflag:$0x2] =	stream.linear.gather [hbm4b:s19+s8], $0x50, $0x38;
	[tilespmem:$0x1E300] =	vst v63  }
0x2a: {  	_ =	swait.ge [sflag:s25], $0x50  }
0x2b: {  	[sflag:s25] =	ssyncset.done $0x0  }
0x2c: {  	[sflag:s25] =	ssyncadd.s32 $0xFFFFFFB0  }
0x2d: {  	_ =	swait.ge [sflag:s25], $0x50  }
0x2e: {  	[sflag:s25] =	ssyncset.done $0x0  }
0x2f: {  	s21 =	rddreg [dreg:$0xd];
	[sflag:s25] =	ssyncadd.s32 $0xFFFFFFB0  }
0x30: {  	[tilespmem:s26], [sflag:$0x3] =	stream.linear.gather [hbm4b:s21+s8], $0x2800, $0x38;
	[tilespmem:$0x1E300] =	vst v63  }
0x31: {  	s19 =	simm.s32 $0x0  }
0x32: {  	[tilespmem:s29], [sflag:$0x5] =	stream.indirect.gather [hbm4b:s0+s28], $0x80, s8, s28, $0xb8;
	[tilespmem:$0x1E300] =	vst v63  }
.LBB2_2:
0x33: {  	_ =	swait.ge [sflag:s30], $0x2800  }
0x34: {  	[sflag:s30] =	ssyncset.done $0x0  }
0x35: {  	[sflag:s30] =	ssyncadd.s32 $0xFFFFD800  }
0x36: {  	_ =	swait.ge [sflag:s31], $0x2800  }
0x37: {  	p0 =	seq.s32 s19, $0x0;
	[sflag:s31] =	ssyncset.done $0x0  }
0x38: {  	s9 =	simm.s32 @!p0 $0x8;
	[sflag:s31] =	ssyncadd.s32 $0xFFFFD800  }
0x39: {  	_ =	swait.ge @!p0 [sflag:s9], $0x2800  }
0x3a: {  	[sflag:s9] =	ssyncset.done @!p0 $0x0  }
0x3b: {  	[sflag:s9] =	ssyncadd.s32 @!p0 $0xFFFFD800  }
0x3c: {  	s15 =	smul.u32 @!p0 $0xA0, s19;
	_ =	swait.ge [sflag:s2], $0x50  }
0x3d: {  	[sflag:s2] =	ssyncset.done $0x0  }
0x3e: {  	s9 =	sadd.s32 @!p0 s10, s15;
	[sflag:s2] =	ssyncadd.s32 $0xFFFFFFB0  }
0x3f: {  	s9 =	smov.u32 @p0 s10;
	_ =	swait.ge [sflag:s2], $0x50  }
0x40: {  	s9 =	sshll.u32 s9, $0x4;
	[sflag:s2] =	ssyncset.done $0x0  }
0x41: {  	s20 =	simm.s32 $0x0;
	s9 =	sadd.s32 s1, s9;
	[sflag:s2] =	ssyncadd.s32 $0xFFFFFFB0  }
0x42: {  	[tilespmem:s7], [sflag:$0x4] =	stream.linear.gather [hbm4b:s9+s20], $0x2800, $0x38;
	[tilespmem:$0x1E300] =	vst v63  }
0x43: {  	_ = 	snop  }
0x44: {  	[tilespmem:s5], [sflag:$0x6] =	stream.indirect.gather [hbm4b:s0+s28], $0x80, s23, s28, $0xb8;
	[tilespmem:$0x1E300] =	vst v63  }
0x45: {  	v0 =	vld [tilespmem:$0x100]  }
0x46: {  	v1 =	vld [tilespmem:$0x110]  }
0x47: {  	v2 =	vld [tilespmem:$0x120]  }
0x48: {  	v3 =	vld [tilespmem:$0x130]  }
0x49: {  	v4 =	vld [tilespmem:$0x140]  }
0x4a: {  	[tilespmem:$0x200] =	vst v0  }
0x4b: {  	s15 =	simm.s32 @p0 $0x0;
	[tilespmem:$0x210] =	vst v1  }
0x4c: {  	s9 =	sadd.s32 s15, s16;
	[tilespmem:$0x220] =	vst v2  }
0x4d: {  	s21 =	sshrl.u32 s9, $0x3;
	[tilespmem:$0x230] =	vst v3  }
0x4e: {  	s18 =	sadd.s32 s3, s21;
	[tilespmem:$0x240] =	vst v4  }
0x4f: {  	[tilespmem:s20], [sflag:$0x1] =	stream.linear.gather [hbm4b:s18+s20], $0x50, $0x38;
	[tilespmem:$0x1E300] =	vst v63  }
0x50: {  	s21 =	sadd.s32 s4, s21  }
0x51: {  	[tilespmem:s22], [sflag:$0x1] =	stream.linear.gather [hbm4b:s21+s20], $0x50, $0x38;
	[tilespmem:$0x1E300] =	vst v63  }
0x52: {  	s20 =	simm.s32 $0x0  }
0x53: {  	v6 =	vld [tilespmem:s20+$0x5300]  }
0x54: {  	v11 =	vld [tilespmem:s20+$0x5310]  }
0x55: {  	v5 =	vld [tilespmem:s20+$0x5320]  }
0x56: {  	v4 =	vld [tilespmem:s20+$0x5330]  }
0x57: {  	v3 =	vld [tilespmem:s20+$0x5340]  }
0x58: {  	v2 =	vld [tilespmem:s20+$0x5350]  }
0x59: {  	v1 =	vld [tilespmem:s20+$0x5360]  }
0x5a: {  	v0 =	vld [tilespmem:s20+$0x5370]  }
0x5b: {  	v12 =	vld [tilespmem:s20+$0x300]  }
0x5c: {  	v13 =	vld [tilespmem:s20+$0x310]  }
0x5d: {  	v10 =	vld [tilespmem:s20+$0x320]  }
0x5e: {  	v9 =	vld [tilespmem:s20+$0x330]  }
0x5f: {  	v8 =	vld [tilespmem:s20+$0x340]  }
0x60: {  	v7 =	vld [tilespmem:s20+$0x350];
	v12 =	vadd.f32 v6, v12  }
0x61: {  	s21 =	simm.s32 $0x200;
	v11 =	vadd.f32 v11, v13;
	v6 =	vld [tilespmem:s20+$0x360]  }
.LBB2_3:
0x62: {  	s18 =	sshra.s32 s21, $0x2;
	p0 =	sne.s32 s21, $0x9E00;
	v12 =	vmax.f32 v12, $0.0e+00;
	v5 =	vadd.f32 v5, v10;
	v10 =	vld [tilespmem:s20+$0x370]  }
0x63: {  	v13 =	vld [tilespmem:s18+$0x5300];
	[tilespmem:s20+$0x300] =	vst v12;
	v11 =	vmax.f32 v11, $0.0e+00;
	v4 =	vadd.f32 v4, v9  }
0x64: {  	v14 =	vld [tilespmem:s18+$0x5310];
	[tilespmem:s20+$0x310] =	vst v11;
	v9 =	vmax.f32 v5, $0.0e+00;
	v3 =	vadd.f32 v3, v8  }
0x65: {  	v5 =	vld [tilespmem:s18+$0x5320];
	[tilespmem:s20+$0x320] =	vst v9;
	v8 =	vmax.f32 v4, $0.0e+00;
	v2 =	vadd.f32 v2, v7  }
0x66: {  	v4 =	vld [tilespmem:s18+$0x5330];
	[tilespmem:s20+$0x330] =	vst v8;
	v7 =	vmax.f32 v3, $0.0e+00;
	v1 =	vadd.f32 v1, v6  }
0x67: {  	v3 =	vld [tilespmem:s18+$0x5340];
	[tilespmem:s20+$0x340] =	vst v7;
	v6 =	vmax.f32 v2, $0.0e+00;
	v0 =	vadd.f32 v0, v10  }
0x68: {  	v2 =	vld [tilespmem:s18+$0x5350];
	[tilespmem:s20+$0x350] =	vst v6;
	v6 =	vmax.f32 v1, $0.0e+00  }
0x69: {  	v1 =	vld [tilespmem:s18+$0x5360];
	[tilespmem:s20+$0x360] =	vst v6;
	v6 =	vmax.f32 v0, $0.0e+00  }
0x6a: {  	v0 =	vld [tilespmem:s18+$0x5370];
	[tilespmem:s20+$0x370] =	vst v6;
	s20 =	smov.u32 s18  }
0x6b: {  	v6 =	vld [tilespmem:s20+$0x300]  }
0x6c: {  	v11 =	vld [tilespmem:s20+$0x310]  }
.Ltmp0:
0x6d: {  	v10 =	vld [tilespmem:s20+$0x320];
	(pc) =	sbr.rel @p0 .LBB2_3-.Ltmp0, $4  }
0x6e: {  	v9 =	vld [tilespmem:s20+$0x330]  }
0x6f: {  	v8 =	vld [tilespmem:s20+$0x340]  }
0x70: {  	v12 =	vadd.f32 v13, v6;
	v7 =	vld [tilespmem:s20+$0x350]  }
0x71: {  	s21 =	sadd.s32 $0x200, s21;
	v11 =	vadd.f32 v14, v11;
	v6 =	vld [tilespmem:s20+$0x360]  }
0x72: {  	v12 =	vmax.f32 v12, $0.0e+00;
	v5 =	vadd.f32 v5, v10;
	v10 =	vld [tilespmem:s20+$0x370]  }
0x73: {  	[tilespmem:s20+$0x300] =	vst v12;
	v11 =	vmax.f32 v11, $0.0e+00;
	v4 =	vadd.f32 v4, v9  }
0x74: {  	[tilespmem:s20+$0x310] =	vst v11;
	v5 =	vmax.f32 v5, $0.0e+00;
	v3 =	vadd.f32 v3, v8  }
0x75: {  	[tilespmem:s20+$0x320] =	vst v5;
	v4 =	vmax.f32 v4, $0.0e+00;
	v2 =	vadd.f32 v2, v7  }
0x76: {  	[tilespmem:s20+$0x330] =	vst v4;
	v3 =	vmax.f32 v3, $0.0e+00;
	v1 =	vadd.f32 v1, v6  }
0x77: {  	[tilespmem:s20+$0x340] =	vst v3;
	v2 =	vmax.f32 v2, $0.0e+00;
	v0 =	vadd.f32 v0, v10  }
0x78: {  	[tilespmem:s20+$0x350] =	vst v2;
	v1 =	vmax.f32 v1, $0.0e+00  }
0x79: {  	[tilespmem:s20+$0x360] =	vst v1;
	v0 =	vmax.f32 v0, $0.0e+00  }
0x7a: {  	[tilespmem:s20+$0x370] =	vst v0  }
0x7b: {  	[spmem:s6] =	stream.indirect.scatter.add.f32 [tilespmem:s26], [sflag:$0x7], $0x80, s24, s28, $0xb8;
	[tilespmem:$0x1E300] =	vst v63  }
0x7c: {  	_ =	swait.ge [sflag:s11], $0x2800  }
0x7d: {  	[sflag:s11] =	ssyncset.done $0x0  }
0x7e: {  	[sflag:s11] =	ssyncadd.s32 $0xFFFFD800  }
0x7f: {  	_ =	swait.ge [sflag:s12], $0x2800  }
0x80: {  	[sflag:s12] =	ssyncset.done $0x0  }
0x81: {  	[sflag:s12] =	ssyncadd.s32 $0xFFFFD800  }
0x82: {  	_ =	swait.ge [sflag:s13], $0x2800  }
0x83: {  	[sflag:s13] =	ssyncset.done $0x0  }
0x84: {  	[sflag:s13] =	ssyncadd.s32 $0xFFFFD800  }
0x85: {  	_ =	swait.ge [sflag:s25], $0x50  }
0x86: {  	[sflag:s25] =	ssyncset.done $0x0  }
0x87: {  	[sflag:s25] =	ssyncadd.s32 $0xFFFFFFB0  }
0x88: {  	_ =	swait.ge [sflag:s25], $0x50  }
0x89: {  	s9 =	sshll.u32 s9, $0x4;
	[sflag:s25] =	ssyncset.done $0x0  }
0x8a: {  	s9 =	sadd.s32 s1, s9;
	[sflag:s25] =	ssyncadd.s32 $0xFFFFFFB0  }
0x8b: {  	[tilespmem:s26], [sflag:$0x3] =	stream.linear.gather [hbm4b:s9+s8], $0x2800, $0x38;
	[tilespmem:$0x1E300] =	vst v63  }
0x8c: {  	_ = 	snop  }
0x8d: {  	[tilespmem:s29], [sflag:$0x5] =	stream.indirect.gather [hbm4b:s0+s28], $0x80, s8, s28, $0xb8;
	[tilespmem:$0x1E300] =	vst v63  }
0x8e: {  	v0 =	vld [tilespmem:$0x180]  }
0x8f: {  	v1 =	vld [tilespmem:$0x190]  }
0x90: {  	v2 =	vld [tilespmem:$0x1A0]  }
0x91: {  	v3 =	vld [tilespmem:$0x1B0]  }
0x92: {  	v4 =	vld [tilespmem:$0x1C0]  }
0x93: {  	[tilespmem:$0x280] =	vst v0  }
0x94: {  	p0 =	seq.s32 s19, $0x3D;
	[tilespmem:$0x290] =	vst v1  }
0x95: {  	s9 =	sadd.s32 @!p0 s15, s17;
	[tilespmem:$0x2A0] =	vst v2  }
0x96: {  	s9 =	sshrl.u32 @!p0 s9, $0x3;
	[tilespmem:$0x2B0] =	vst v3  }
0x97: {  	s18 =	simm.s32 @!p0 $0x0;
	s20 =	simm.s32 @!p0 $0x80;
	s15 =	sadd.s32 @!p0 s3, s9;
	[tilespmem:$0x2C0] =	vst v4  }
0x98: {  	[tilespmem:s20], [sflag:$0x2] =	stream.linear.gather @!p0 [hbm4b:s15+s18], $0x50, $0x38;
	[tilespmem:$0x1E300] =	vst v63  }
0x99: {  	s9 =	sadd.s32 @!p0 s4, s9;
	s15 =	simm.s32 @!p0 $0x180  }
0x9a: {  	[tilespmem:s15], [sflag:$0x2] =	stream.linear.gather @!p0 [hbm4b:s9+s18], $0x50, $0x38;
	[tilespmem:$0x1E300] =	vst v63  }
0x9b: {  	s9 =	simm.s32 $0x0  }
0x9c: {  	v6 =	vld [tilespmem:s9+$0x7B00]  }
0x9d: {  	v11 =	vld [tilespmem:s9+$0x7B10]  }
0x9e: {  	v5 =	vld [tilespmem:s9+$0x7B20]  }
0x9f: {  	v4 =	vld [tilespmem:s9+$0x7B30]  }
0xa0: {  	v3 =	vld [tilespmem:s9+$0x7B40]  }
0xa1: {  	v2 =	vld [tilespmem:s9+$0x7B50]  }
0xa2: {  	v1 =	vld [tilespmem:s9+$0x7B60]  }
0xa3: {  	v0 =	vld [tilespmem:s9+$0x7B70]  }
0xa4: {  	v12 =	vld [tilespmem:s9+$0x2B00]  }
0xa5: {  	v13 =	vld [tilespmem:s9+$0x2B10]  }
0xa6: {  	v10 =	vld [tilespmem:s9+$0x2B20]  }
0xa7: {  	v9 =	vld [tilespmem:s9+$0x2B30]  }
0xa8: {  	v8 =	vld [tilespmem:s9+$0x2B40]  }
0xa9: {  	v7 =	vld [tilespmem:s9+$0x2B50];
	v12 =	vadd.f32 v6, v12  }
0xaa: {  	s15 =	simm.s32 $0x200;
	v11 =	vadd.f32 v11, v13;
	v6 =	vld [tilespmem:s9+$0x2B60]  }
.LBB2_5:
0xab: {  	s18 =	sshra.s32 s15, $0x2;
	p0 =	sne.s32 s15, $0x9E00;
	v12 =	vmax.f32 v12, $0.0e+00;
	v5 =	vadd.f32 v5, v10;
	v10 =	vld [tilespmem:s9+$0x2B70]  }
0xac: {  	v13 =	vld [tilespmem:s18+$0x7B00];
	[tilespmem:s9+$0x2B00] =	vst v12;
	v11 =	vmax.f32 v11, $0.0e+00;
	v4 =	vadd.f32 v4, v9  }
0xad: {  	v14 =	vld [tilespmem:s18+$0x7B10];
	[tilespmem:s9+$0x2B10] =	vst v11;
	v9 =	vmax.f32 v5, $0.0e+00;
	v3 =	vadd.f32 v3, v8  }
0xae: {  	v5 =	vld [tilespmem:s18+$0x7B20];
	[tilespmem:s9+$0x2B20] =	vst v9;
	v8 =	vmax.f32 v4, $0.0e+00;
	v2 =	vadd.f32 v2, v7  }
0xaf: {  	v4 =	vld [tilespmem:s18+$0x7B30];
	[tilespmem:s9+$0x2B30] =	vst v8;
	v7 =	vmax.f32 v3, $0.0e+00;
	v1 =	vadd.f32 v1, v6  }
0xb0: {  	v3 =	vld [tilespmem:s18+$0x7B40];
	[tilespmem:s9+$0x2B40] =	vst v7;
	v6 =	vmax.f32 v2, $0.0e+00;
	v0 =	vadd.f32 v0, v10  }
0xb1: {  	v2 =	vld [tilespmem:s18+$0x7B50];
	[tilespmem:s9+$0x2B50] =	vst v6;
	v6 =	vmax.f32 v1, $0.0e+00  }
0xb2: {  	v1 =	vld [tilespmem:s18+$0x7B60];
	[tilespmem:s9+$0x2B60] =	vst v6;
	v6 =	vmax.f32 v0, $0.0e+00  }
0xb3: {  	v0 =	vld [tilespmem:s18+$0x7B70];
	[tilespmem:s9+$0x2B70] =	vst v6;
	s9 =	smov.u32 s18  }
0xb4: {  	v6 =	vld [tilespmem:s9+$0x2B00]  }
0xb5: {  	v11 =	vld [tilespmem:s9+$0x2B10]  }
.Ltmp1:
0xb6: {  	v10 =	vld [tilespmem:s9+$0x2B20];
	(pc) =	sbr.rel @p0 .LBB2_5-.Ltmp1, $4  }
0xb7: {  	v9 =	vld [tilespmem:s9+$0x2B30]  }
0xb8: {  	v8 =	vld [tilespmem:s9+$0x2B40]  }
0xb9: {  	v12 =	vadd.f32 v13, v6;
	v7 =	vld [tilespmem:s9+$0x2B50]  }
0xba: {  	s15 =	sadd.s32 $0x200, s15;
	v11 =	vadd.f32 v14, v11;
	v6 =	vld [tilespmem:s9+$0x2B60]  }
0xbb: {  	v12 =	vmax.f32 v12, $0.0e+00;
	v5 =	vadd.f32 v5, v10;
	v63 =	vld [tilespmem:s9+$0x2B70]  }
0xbc: {  	[tilespmem:s9+$0x2B00] =	vst v12;
	v11 =	vmax.f32 v11, $0.0e+00;
	v4 =	vadd.f32 v4, v9  }
0xbd: {  	[tilespmem:s9+$0x2B10] =	vst v11;
	v5 =	vmax.f32 v5, $0.0e+00;
	v3 =	vadd.f32 v3, v8  }
0xbe: {  	s19 =	sadd.s32 $0x1, s19;
	[tilespmem:s9+$0x2B20] =	vst v5;
	v4 =	vmax.f32 v4, $0.0e+00;
	v2 =	vadd.f32 v2, v7  }
0xbf: {  	p0 =	sne.s32 s19, $0x3E;
	[tilespmem:s9+$0x2B30] =	vst v4;
	v3 =	vmax.f32 v3, $0.0e+00;
	v1 =	vadd.f32 v1, v6  }
.Ltmp2:
0xc0: {  	[tilespmem:s9+$0x2B40] =	vst v3;
	v2 =	vmax.f32 v2, $0.0e+00;
	v0 =	vadd.f32 v0, v63;
	(pc) =	sbr.rel @p0 .LBB2_2-.Ltmp2, $4  }
0xc1: {  	[tilespmem:s9+$0x2B50] =	vst v2;
	v1 =	vmax.f32 v1, $0.0e+00  }
0xc2: {  	[tilespmem:s9+$0x2B60] =	vst v1;
	v0 =	vmax.f32 v0, $0.0e+00  }
0xc3: {  	[tilespmem:s9+$0x2B70] =	vst v0  }
0xc4: {  	[spmem:s6] =	stream.indirect.scatter.add.f32 [tilespmem:s7], [sflag:$0x8], $0x80, s14, s28, $0xb8;
	[tilespmem:$0x1E300] =	vst v63  }
0xc5: {  	_ =	swait.ge [sflag:s30], $0x2800  }
0xc6: {  	[sflag:s30] =	ssyncset.done $0x0  }
0xc7: {  	[sflag:s30] =	ssyncadd.s32 $0xFFFFD800  }
0xc8: {  	_ =	swait.ge [sflag:s31], $0x2800  }
0xc9: {  	[sflag:s31] =	ssyncset.done $0x0  }
0xca: {  	s9 =	simm.s32 $0x8;
	[sflag:s31] =	ssyncadd.s32 $0xFFFFD800  }
0xcb: {  	_ =	swait.ge [sflag:s9], $0x2800  }
0xcc: {  	[sflag:s9] =	ssyncset.done $0x0  }
0xcd: {  	[sflag:s9] =	ssyncadd.s32 $0xFFFFD800  }
0xce: {  	v0 =	vld [tilespmem:$0x100]  }
0xcf: {  	v1 =	vld [tilespmem:$0x110]  }
0xd0: {  	v2 =	vld [tilespmem:$0x120]  }
0xd1: {  	v3 =	vld [tilespmem:$0x130]  }
0xd2: {  	v4 =	vld [tilespmem:$0x140]  }
0xd3: {  	[tilespmem:$0x200] =	vst v0  }
0xd4: {  	[tilespmem:$0x210] =	vst v1  }
0xd5: {  	[tilespmem:$0x220] =	vst v2  }
0xd6: {  	[tilespmem:$0x230] =	vst v3  }
0xd7: {  	s9 =	simm.s32 $0x0;
	[tilespmem:$0x240] =	vst v4  }
0xd8: {  	v6 =	vld [tilespmem:s9+$0x5300]  }
0xd9: {  	v11 =	vld [tilespmem:s9+$0x5310]  }
0xda: {  	v5 =	vld [tilespmem:s9+$0x5320]  }
0xdb: {  	v4 =	vld [tilespmem:s9+$0x5330]  }
0xdc: {  	v3 =	vld [tilespmem:s9+$0x5340]  }
0xdd: {  	v2 =	vld [tilespmem:s9+$0x5350]  }
0xde: {  	v1 =	vld [tilespmem:s9+$0x5360]  }
0xdf: {  	v0 =	vld [tilespmem:s9+$0x5370]  }
0xe0: {  	v12 =	vld [tilespmem:s9+$0x300]  }
0xe1: {  	v13 =	vld [tilespmem:s9+$0x310]  }
0xe2: {  	v10 =	vld [tilespmem:s9+$0x320]  }
0xe3: {  	v9 =	vld [tilespmem:s9+$0x330]  }
0xe4: {  	v8 =	vld [tilespmem:s9+$0x340]  }
0xe5: {  	v7 =	vld [tilespmem:s9+$0x350];
	v12 =	vadd.f32 v6, v12  }
0xe6: {  	s15 =	simm.s32 $0x200;
	v11 =	vadd.f32 v11, v13;
	v6 =	vld [tilespmem:s9+$0x360]  }
.LBB2_8:
0xe7: {  	s18 =	sshra.s32 s15, $0x2;
	p0 =	sne.s32 s15, $0x9E00;
	v12 =	vmax.f32 v12, $0.0e+00;
	v5 =	vadd.f32 v5, v10;
	v10 =	vld [tilespmem:s9+$0x370]  }
0xe8: {  	v13 =	vld [tilespmem:s18+$0x5300];
	[tilespmem:s9+$0x300] =	vst v12;
	v11 =	vmax.f32 v11, $0.0e+00;
	v4 =	vadd.f32 v4, v9  }
0xe9: {  	v14 =	vld [tilespmem:s18+$0x5310];
	[tilespmem:s9+$0x310] =	vst v11;
	v9 =	vmax.f32 v5, $0.0e+00;
	v3 =	vadd.f32 v3, v8  }
0xea: {  	v5 =	vld [tilespmem:s18+$0x5320];
	[tilespmem:s9+$0x320] =	vst v9;
	v8 =	vmax.f32 v4, $0.0e+00;
	v2 =	vadd.f32 v2, v7  }
0xeb: {  	v4 =	vld [tilespmem:s18+$0x5330];
	[tilespmem:s9+$0x330] =	vst v8;
	v7 =	vmax.f32 v3, $0.0e+00;
	v1 =	vadd.f32 v1, v6  }
0xec: {  	v3 =	vld [tilespmem:s18+$0x5340];
	[tilespmem:s9+$0x340] =	vst v7;
	v6 =	vmax.f32 v2, $0.0e+00;
	v0 =	vadd.f32 v0, v10  }
0xed: {  	v2 =	vld [tilespmem:s18+$0x5350];
	[tilespmem:s9+$0x350] =	vst v6;
	v6 =	vmax.f32 v1, $0.0e+00  }
0xee: {  	v1 =	vld [tilespmem:s18+$0x5360];
	[tilespmem:s9+$0x360] =	vst v6;
	v6 =	vmax.f32 v0, $0.0e+00  }
0xef: {  	v0 =	vld [tilespmem:s18+$0x5370];
	[tilespmem:s9+$0x370] =	vst v6;
	s9 =	smov.u32 s18  }
0xf0: {  	v6 =	vld [tilespmem:s9+$0x300]  }
0xf1: {  	v11 =	vld [tilespmem:s9+$0x310]  }
.Ltmp3:
0xf2: {  	v10 =	vld [tilespmem:s9+$0x320];
	(pc) =	sbr.rel @p0 .LBB2_8-.Ltmp3, $4  }
0xf3: {  	v9 =	vld [tilespmem:s9+$0x330]  }
0xf4: {  	v8 =	vld [tilespmem:s9+$0x340]  }
0xf5: {  	v12 =	vadd.f32 v13, v6;
	v7 =	vld [tilespmem:s9+$0x350]  }
0xf6: {  	s15 =	sadd.s32 $0x200, s15;
	v11 =	vadd.f32 v14, v11;
	v6 =	vld [tilespmem:s9+$0x360]  }
0xf7: {  	v12 =	vmax.f32 v12, $0.0e+00;
	v5 =	vadd.f32 v5, v10;
	v63 =	vld [tilespmem:s9+$0x370]  }
0xf8: {  	[tilespmem:s9+$0x300] =	vst v12;
	v11 =	vmax.f32 v11, $0.0e+00;
	v4 =	vadd.f32 v4, v9  }
0xf9: {  	[tilespmem:s9+$0x310] =	vst v11;
	v5 =	vmax.f32 v5, $0.0e+00;
	v3 =	vadd.f32 v3, v8  }
0xfa: {  	[tilespmem:s9+$0x320] =	vst v5;
	v4 =	vmax.f32 v4, $0.0e+00;
	v2 =	vadd.f32 v2, v7  }
0xfb: {  	[tilespmem:s9+$0x330] =	vst v4;
	v3 =	vmax.f32 v3, $0.0e+00;
	v1 =	vadd.f32 v1, v6  }
0xfc: {  	[tilespmem:s9+$0x340] =	vst v3;
	v2 =	vmax.f32 v2, $0.0e+00;
	v0 =	vadd.f32 v0, v63  }
0xfd: {  	[tilespmem:s9+$0x350] =	vst v2;
	v1 =	vmax.f32 v1, $0.0e+00  }
0xfe: {  	[tilespmem:s9+$0x360] =	vst v1;
	v0 =	vmax.f32 v0, $0.0e+00  }
0xff: {  	[tilespmem:s9+$0x370] =	vst v0  }
0x100: {  	[spmem:s6] =	stream.indirect.scatter.add.f32 [tilespmem:s26], [sflag:$0x7], $0x80, s24, s28, $0xb8;
	[tilespmem:$0x1E300] =	vst v63  }
0x101: {  	_ =	swait.ge [sflag:s13], $0x2800  }
0x102: {  	[sflag:s13] =	ssyncset.done $0x0  }
0x103: {  	[sflag:s13] =	ssyncadd.s32 $0xFFFFD800  }
0x104: {  	[bflag:$0x0] =	sbarrier.arrive $0xFFFF  }
0x105: {  	s18 =	rddreg [dreg:$0x8]  }
0x106: {  	s20 =	rddreg [dreg:$0xe]  }
0x107: {  	s19 =	simm.s32 $0x9;
	s15 =	rddreg [dreg:$0x10]  }
0x108: {  	[hbm:s20], [sflag:s18] =	dma.local [spmem:s15], $0x2800  }
0x109: {  	_ =	swait.ge [sflag:s19], $0x2800  }
0x10a: {  	s20 =	rddreg [dreg:$0x11]  }
0x10b: {  	s21 =	rddreg [dreg:$0xf];
	s20 =	sadd.s32 $0x1, s20  }
0x10c: {  	p0 =	sne.s32 s20, s21  }
.Ltmp4:
0x10d: {  	_ = 	snop;
	(pc) =	sbr.rel @p0 .LBB2_1-.Ltmp4, $3  }
0x10e: {  	_ =	sdelay $0x1  }
0x10f: {  	[sflag:s19] =	ssyncset.done $0x0  }
0x110: {  	[sflag:s19] =	ssyncadd.s32 $0xFFFFD800  }
0x111: {  	_ =	sfence.sel $0x180000  }
0x112: {  	[bflag:$0x0] =	sbarrier.arrive $0xFFFF  }
0x113: {  	_ =	strace $0x90000047  }
0x114: {  	s0 =	stileid.u32;
	[bflag:$0x2] =	sbarrier.arrive $0xFFFF  }
0x115: {  	p0 =	sne.s32 s0, $0x0;
	s0 =	rddreg [dreg:$0x7]  }
0x116: {  	s0 =	sadd.s32 @!p0 $0x100000, s0  }
0x117: {  	[sflag:s0] =	ssyncadd.tile.s32 @!p0 $0x1;
	_ =	shalt  }
.Lfunc_end2:
_tile_overlayer_lowered:
.L_overlay_start_2:
0x118: {  	(tag) =	ssettag $0x2  }
0x119: {  	s0 =	rddreg [dreg:$0x0];
	s2 =	stileid.u32  }
0x11a: {  	s1 =	rddreg [dreg:$0x1];
	p0 =	sne.s32 s2, $0x0  }
0x11b: {  	s3 =	rddreg [dreg:$0x2];
	[bflag:$0x3] =	sbarrier.arrive $0xFFFF;
	s2 =	simm.s32 @!p0 $0x1C09  }
0x11c: {  	[timem:s3], [sflag:s2] =	dma.local @!p0 [hbm:s0], s1  }
0x11d: {  	s0 =	simm.s32 @!p0 $0x9  }
0x11e: {  	_ =	swait.ge @!p0 [sflag:s0], s1  }
0x11f: {  	s1 =	ssub.s32 @!p0 $0x0, s1;
	[sflag:s0] =	ssyncset.done @!p0 $0x0  }
0x120: {  	[sflag:s0] =	ssyncadd.s32 @!p0 s1  }
0x121: {  	[bflag:$0x3] =	sbarrier.arrive $0xFFFF  }
0x122: {  	_ =	shalt  }

</sc_bundles>
